<compile_context>
chip_gen: v7x
topology: tpu7x:2x2x1
jax: 0.10.2.dev20260603
libtpu: 0.0.44.dev20260713+nightly
codegen_flags: <defaults>
</compile_context>

<pallas_src>
import functools

import jax
import jax.numpy as jnp
from jax import lax
from jax.experimental import pallas as pl
from jax.experimental.pallas import tpu as pltpu
from jax.experimental.pallas import tpu_sc as plsc

N_NODES = 10000
N_EDGES = 160000
D_IN = 1433
D_HID = 16
D_OUT = 7

NC = 2
NS = 16
NW = NC * NS
E_W = 5120
E_C = 2560
E_PAD = NW * E_W
N_PAD = 10240
ZROWS = N_PAD // NS



def _mm_body(x_ref, w_ref, o_ref):
    o_ref[...] = jnp.dot(x_ref[...], w_ref[...],
                         preferred_element_type=jnp.float32)


def _project(x, w):
    n, k = x.shape
    br = 2000
    return pl.pallas_call(
        _mm_body,
        grid=(n // br,),
        in_specs=[
            pl.BlockSpec((br, k), lambda i: (i, 0)),
            pl.BlockSpec((k, D_HID), lambda i: (0, 0)),
        ],
        out_specs=pl.BlockSpec((br, D_HID), lambda i: (i, 0)),
        out_shape=jax.ShapeDtypeStruct((n, D_HID), jnp.float32),
    )(x, w)


def _out_body(p_ref, w2_ref, b2_ref, o_ref):
    a = p_ref[0] + p_ref[1]
    logits = jnp.dot(a, w2_ref[...],
                     preferred_element_type=jnp.float32) + b2_ref[...]
    m = jnp.max(logits, axis=1, keepdims=True)
    s = logits - m
    lse = jnp.log(jnp.sum(jnp.exp(s), axis=1, keepdims=True))
    o_ref[...] = s - lse


def _final(parts, w2, b2):
    return pl.pallas_call(
        _out_body,
        grid=(1,),
        in_specs=[
            pl.BlockSpec((NC, N_NODES, D_HID), lambda i: (0, 0, 0)),
            pl.BlockSpec((D_HID, D_OUT), lambda i: (0, 0)),
            pl.BlockSpec((1, D_OUT), lambda i: (0, 0)),
        ],
        out_specs=pl.BlockSpec((N_NODES, D_OUT), lambda i: (0, 0)),
        out_shape=jax.ShapeDtypeStruct((N_NODES, D_OUT), jnp.float32),
    )(parts, w2, b2.reshape(1, D_OUT))



_sc_mesh = plsc.VectorSubcoreMesh(core_axis_name="c", subcore_axis_name="s")


@functools.partial(
    pl.kernel,
    mesh=_sc_mesh,
    compiler_params=pltpu.CompilerParams(use_tc_tiling_on_sc=False),
    out_type=jax.ShapeDtypeStruct((NC, N_PAD, D_HID), jnp.float32),
    scratch_types=[
        pltpu.VMEM((6, E_C), jnp.int32),
        pltpu.VMEM((6, E_C), jnp.int32),
        pltpu.VMEM((E_C, D_HID), jnp.float32),
        pltpu.VMEM((E_C, D_HID), jnp.float32),
        pltpu.VMEM((ZROWS // 2, D_HID), jnp.float32),
        pltpu.VMEM((D_HID,), jnp.float32),
        pltpu.VMEM_SHARED((N_PAD, D_HID), jnp.float32),
        pltpu.SemaphoreType.DMA,
        pltpu.SemaphoreType.DMA,
    ],
)
def _sc_gcn(table_hbm, src_hbm, dst_hbm, b1_hbm,
            out_hbm, src_v, dst_v, rows0_v, rows1_v, zbuf_v, b1_v,
            acc_sh, sem0, sem1):
    c = lax.axis_index("c")
    s = lax.axis_index("s")
    wid = c * NS + s
    mine = pl.ds(s * ZROWS, ZROWS)

    pltpu.sync_copy(src_hbm.at[pl.ds(4 * s, 4)], src_v.at[pl.ds(0, 4)])
    pltpu.sync_copy(dst_hbm.at[pl.ds(4 * s, 4)], dst_v.at[pl.ds(0, 4)])
    pltpu.sync_copy(src_hbm.at[pl.ds(2 * wid, 2)], src_v.at[pl.ds(4, 2)])
    pltpu.sync_copy(dst_hbm.at[pl.ds(2 * wid, 2)], dst_v.at[pl.ds(4, 2)])
    pltpu.sync_copy(b1_hbm, b1_v)
    cp0 = pltpu.async_copy(table_hbm.at[src_v.at[0]], rows0_v, sem0)
    cp1 = pltpu.async_copy(table_hbm.at[src_v.at[1]], rows1_v, sem1)

    zero = jnp.zeros((D_HID,), jnp.float32)

    def _zero_row(r, carry):
        for u in range(4):
            zbuf_v[r * 4 + u, :] = zero
        return carry

    lax.fori_loop(0, ZROWS // 8, _zero_row, 0)
    half = ZROWS // 2
    pltpu.sync_copy(zbuf_v, acc_sh.at[pl.ds(s * ZROWS, half)])
    pltpu.sync_copy(zbuf_v, acc_sh.at[pl.ds(s * ZROWS + half, half)])
    plsc.subcore_barrier()

    cp0.wait()
    pltpu.sync_copy(rows0_v, acc_sh.at[dst_v.at[0]], add=True)
    pltpu.async_copy(table_hbm.at[src_v.at[2]], rows0_v, sem0)
    cp1.wait()
    pltpu.sync_copy(rows1_v, acc_sh.at[dst_v.at[1]], add=True)
    pltpu.async_copy(table_hbm.at[src_v.at[3]], rows1_v, sem1)
    pltpu.make_async_copy(table_hbm.at[src_v.at[2]], rows0_v, sem0).wait()
    pltpu.sync_copy(rows0_v, acc_sh.at[dst_v.at[2]], add=True)
    pltpu.make_async_copy(table_hbm.at[src_v.at[3]], rows1_v, sem1).wait()
    pltpu.sync_copy(rows1_v, acc_sh.at[dst_v.at[3]], add=True)
    plsc.subcore_barrier()

    rstage = rows0_v.at[pl.ds(0, ZROWS)]
    pltpu.sync_copy(acc_sh.at[mine], rstage)
    b1val = b1_v[...]

    def _relu_row(r, carry):
        for u in range(4):
            i = r * 4 + u
            rows0_v[i, :] = jnp.maximum(rows0_v[i, :] + b1val, 0.0)
        return carry

    lax.fori_loop(0, ZROWS // 4, _relu_row, 0)
    pltpu.sync_copy(rstage, acc_sh.at[mine])
    plsc.subcore_barrier()

    g0 = pltpu.async_copy(acc_sh.at[src_v.at[4]], rows0_v, sem0)
    g1 = pltpu.async_copy(acc_sh.at[src_v.at[5]], rows1_v, sem1)
    g0.wait()
    g1.wait()
    plsc.subcore_barrier()
    pltpu.sync_copy(zbuf_v, acc_sh.at[pl.ds(s * ZROWS, half)])
    pltpu.sync_copy(zbuf_v, acc_sh.at[pl.ds(s * ZROWS + half, half)])
    plsc.subcore_barrier()
    pltpu.sync_copy(rows0_v, acc_sh.at[dst_v.at[4]], add=True)
    pltpu.sync_copy(rows1_v, acc_sh.at[dst_v.at[5]], add=True)
    plsc.subcore_barrier()

    pltpu.sync_copy(acc_sh.at[mine], out_hbm.at[c, mine])



@jax.jit
def kernel(features, edge_index, W1, b1, W2, b2):
    src = edge_index[0]
    dst = edge_index[1]
    pad = E_PAD - N_EDGES
    src_p = jnp.concatenate([src, jnp.zeros((pad,), jnp.int32)])
    dst_p = jnp.concatenate([dst, jnp.full((pad,), N_NODES, jnp.int32)])
    src2 = src_p.reshape(2 * NW, E_C)
    dst2 = dst_p.reshape(2 * NW, E_C)

    y1 = _project(features, W1)
    p = _sc_gcn(y1, src2, dst2, b1)
    return _final(p, W2, b2)

# --- scband reference (transcript-rebuilt; emitter-appended) ---
"""Pipeline reference for scband-gcns-26044681682965 (READ-ONLY COPY).

The authoritative reference and input builder live on the scoring server;
editing this copy changes nothing except your own understanding.
"""

import jax, jax.numpy as jnp
import numpy as np

N_NODES = 10000
N_EDGES = 160000
D_IN = 1433
D_HID = 16
D_OUT = 7


def setup_inputs(seed: int = 0) -> dict:
    key = jax.random.key(seed)
    k1, k2, k3, k4, k5, k6 = jax.random.split(key, 6)
    features = jax.random.normal(k1, (N_NODES, D_IN), dtype=jnp.float32)
    edge_index = jax.random.randint(k2, (2, N_EDGES), 0, N_NODES, dtype=jnp.int32)
    # Learned parameters (nn.Linear inside each GCN layer)
    W1 = jax.random.normal(k3, (D_IN, D_HID), dtype=jnp.float32) * (1.0 / np.sqrt(D_IN))
    b1 = jax.random.normal(k4, (D_HID,), dtype=jnp.float32) * 0.01
    W2 = jax.random.normal(k5, (D_HID, D_OUT), dtype=jnp.float32) * (1.0 / np.sqrt(D_HID))
    b2 = jax.random.normal(k6, (D_OUT,), dtype=jnp.float32) * 0.01
    return {"features": features, "edge_index": edge_index, "W1": W1, "b1": b1, "W2": W2, "b2": b2}


def reference(features, edge_index, W1, b1, W2, b2):
    # DGL-tutorial GCN layer: sum-aggregate neighbor features (copy_src + sum),
    # then Linear, then activation.
    src = edge_index[0]
    dst = edge_index[1]
    # Layer 1: aggregate -> linear -> ReLU
    agg1 = jax.ops.segment_sum(features[src], dst, num_segments=N_NODES)
    h1 = jax.nn.relu(agg1 @ W1 + b1)
    # Dropout in the original forward is called but its result is discarded -> no-op.
    # Layer 2: aggregate -> linear -> LogSoftmax(dim=1)
    agg2 = jax.ops.segment_sum(h1[src], dst, num_segments=N_NODES)
    h2 = jax.nn.log_softmax(agg2 @ W2 + b2, axis=1)
    return h2

if __name__ == "__main__":
    import jax
    _d = setup_inputs()
    print(jax.jit(kernel)(*tuple(_d.values())))

</pallas_src>

<mosaic_0001>
#map = affine_map<(d0, d1) -> (0, 0)>
#map1 = affine_map<(d0, d1) -> (0)>
#map2 = affine_map<(d0, d1) -> (0, 0, 0)>
module attributes {stable_mosaic.version = 14 : i64} {
  func.func @_sc_gcn(%arg0: i32, %arg1: i32, %arg2: memref<10000x16xf32, #tpu.memory_space<hbm>>, %arg3: memref<64x2560xi32, #tpu.memory_space<hbm>>, %arg4: memref<64x2560xi32, #tpu.memory_space<hbm>>, %arg5: memref<16xf32, #tpu.memory_space<hbm>>, %arg6: memref<2x10240x16xf32, #tpu.memory_space<hbm>>, %arg7: memref<6x2560xi32, #tpu.memory_space<vmem>>, %arg8: memref<6x2560xi32, #tpu.memory_space<vmem>>, %arg9: memref<2560x16xf32, #tpu.memory_space<vmem>>, %arg10: memref<2560x16xf32, #tpu.memory_space<vmem>>, %arg11: memref<320x16xf32, #tpu.memory_space<vmem>>, %arg12: memref<16xf32, #tpu.memory_space<vmem>>, %arg13: memref<10240x16xf32, #tpu.memory_space<vmem_shared>>, %arg14: memref<!tpu.dma_semaphore, #tpu.memory_space<semaphore_mem>>, %arg15: memref<!tpu.dma_semaphore, #tpu.memory_space<semaphore_mem>>) attributes {dimension_semantics = [#tpu.dimension_semantics<core_parallel>, #tpu.dimension_semantics<subcore_parallel>], iteration_bounds = array<i64: 2, 16>, scalar_prefetch = 0 : i64, scratch_operands = 9 : i64, tpu.core_type = #tpu.core_type<sc_vector_subcore>, window_params = [{transform_indices = #map}, {transform_indices = #map}, {transform_indices = #map}, {transform_indices = #map1}, {transform_indices = #map2}]} {
    %mul3A = arith.constant 16 : i32
    %mul3A_0 = arith.muli %arg0, %mul3A : i32
    %add3A = arith.addi %mul3A_0, %arg1 : i32
    %mul3A_1 = arith.constant 640 : i32
    %mul3A_2 = arith.muli %arg1, %mul3A_1 : i32
    %mul3A_3 = arith.constant 4 : i32
    %mul3A_4 = arith.muli %mul3A_3, %arg1 : i32
    "tpu.region"() ({
      %run_scoped3A_129 = tpu.sem_alloc : memref<!tpu.dma_semaphore, #tpu.memory_space<semaphore_mem>>
      %dma_start3A_130 = arith.constant 0 : i32
      %dma_start3A_131 = arith.constant 0 : i32
      %dma_start3A_132 = tpu.memref_slice %arg7[%dma_start3A_130, %dma_start3A_131] : memref<6x2560xi32, #tpu.memory_space<vmem>> -> memref<4x2560xi32, #tpu.memory_space<vmem>>
      %dma_start3A_133 = arith.constant 0 : i32
      %dma_start3A_134 = tpu.memref_slice %arg3[%mul3A_4, %dma_start3A_133] : memref<64x2560xi32, #tpu.memory_space<hbm>> -> memref<4x2560xi32, #tpu.memory_space<hbm>>
      %dma_start3A_135 = arith.constant 0 : i32
      %dma_start3A_136 = arith.constant 0 : i32
      %dma_start3A_137 = tpu.memref_slice %arg7[%dma_start3A_135, %dma_start3A_136] : memref<6x2560xi32, #tpu.memory_space<vmem>> -> memref<4x2560xi32, #tpu.memory_space<vmem>>
      %dma_start3A_138 = arith.constant 0 : i32
      %dma_start3A_139 = tpu.memref_slice %arg3[%mul3A_4, %dma_start3A_138] : memref<64x2560xi32, #tpu.memory_space<hbm>> -> memref<4x2560xi32, #tpu.memory_space<hbm>>
      tpu.enqueue_dma source(%dma_start3A_139 : memref<4x2560xi32, #tpu.memory_space<hbm>>) target(%dma_start3A_137 : memref<4x2560xi32, #tpu.memory_space<vmem>>) target_semaphore(%run_scoped3A_129 : memref<!tpu.dma_semaphore, #tpu.memory_space<semaphore_mem>>)
      %dma_wait3A_140 = arith.constant 0 : i32
      %dma_wait3A_141 = arith.constant 0 : i32
      %dma_wait3A_142 = tpu.memref_slice %arg7[%dma_wait3A_140, %dma_wait3A_141] : memref<6x2560xi32, #tpu.memory_space<vmem>> -> memref<4x2560xi32, #tpu.memory_space<vmem>>
      %dma_wait3A_143 = arith.constant 0 : i32
      %dma_wait3A_144 = tpu.memref_slice %arg3[%mul3A_4, %dma_wait3A_143] : memref<64x2560xi32, #tpu.memory_space<hbm>> -> memref<4x2560xi32, #tpu.memory_space<hbm>>
      %dma_wait3A_145 = arith.constant 0 : i32
      %dma_wait3A_146 = arith.constant 0 : i32
      %dma_wait3A_147 = tpu.memref_slice %arg7[%dma_wait3A_145, %dma_wait3A_146] : memref<6x2560xi32, #tpu.memory_space<vmem>> -> memref<4x2560xi32, #tpu.memory_space<vmem>>
      %dma_wait3A_148 = arith.constant 0 : i32
      %dma_wait3A_149 = tpu.memref_slice %arg3[%mul3A_4, %dma_wait3A_148] : memref<64x2560xi32, #tpu.memory_space<hbm>> -> memref<4x2560xi32, #tpu.memory_space<hbm>>
      tpu.wait_dma2 semaphore(%run_scoped3A_129 : memref<!tpu.dma_semaphore, #tpu.memory_space<semaphore_mem>>) src(%dma_wait3A_149 : memref<4x2560xi32, #tpu.memory_space<hbm>>) dst(%dma_wait3A_147 : memref<4x2560xi32, #tpu.memory_space<vmem>>)
      tpu.yield
    }) : () -> ()
    %mul3A_5 = arith.constant 4 : i32
    %mul3A_6 = arith.muli %mul3A_5, %arg1 : i32
    "tpu.region"() ({
      %run_scoped3A_129 = tpu.sem_alloc : memref<!tpu.dma_semaphore, #tpu.memory_space<semaphore_mem>>
      %dma_start3A_130 = arith.constant 0 : i32
      %dma_start3A_131 = arith.constant 0 : i32
      %dma_start3A_132 = tpu.memref_slice %arg8[%dma_start3A_130, %dma_start3A_131] : memref<6x2560xi32, #tpu.memory_space<vmem>> -> memref<4x2560xi32, #tpu.memory_space<vmem>>
      %dma_start3A_133 = arith.constant 0 : i32
      %dma_start3A_134 = tpu.memref_slice %arg4[%mul3A_6, %dma_start3A_133] : memref<64x2560xi32, #tpu.memory_space<hbm>> -> memref<4x2560xi32, #tpu.memory_space<hbm>>
      %dma_start3A_135 = arith.constant 0 : i32
      %dma_start3A_136 = arith.constant 0 : i32
      %dma_start3A_137 = tpu.memref_slice %arg8[%dma_start3A_135, %dma_start3A_136] : memref<6x2560xi32, #tpu.memory_space<vmem>> -> memref<4x2560xi32, #tpu.memory_space<vmem>>
      %dma_start3A_138 = arith.constant 0 : i32
      %dma_start3A_139 = tpu.memref_slice %arg4[%mul3A_6, %dma_start3A_138] : memref<64x2560xi32, #tpu.memory_space<hbm>> -> memref<4x2560xi32, #tpu.memory_space<hbm>>
      tpu.enqueue_dma source(%dma_start3A_139 : memref<4x2560xi32, #tpu.memory_space<hbm>>) target(%dma_start3A_137 : memref<4x2560xi32, #tpu.memory_space<vmem>>) target_semaphore(%run_scoped3A_129 : memref<!tpu.dma_semaphore, #tpu.memory_space<semaphore_mem>>)
      %dma_wait3A_140 = arith.constant 0 : i32
      %dma_wait3A_141 = arith.constant 0 : i32
      %dma_wait3A_142 = tpu.memref_slice %arg8[%dma_wait3A_140, %dma_wait3A_141] : memref<6x2560xi32, #tpu.memory_space<vmem>> -> memref<4x2560xi32, #tpu.memory_space<vmem>>
      %dma_wait3A_143 = arith.constant 0 : i32
      %dma_wait3A_144 = tpu.memref_slice %arg4[%mul3A_6, %dma_wait3A_143] : memref<64x2560xi32, #tpu.memory_space<hbm>> -> memref<4x2560xi32, #tpu.memory_space<hbm>>
      %dma_wait3A_145 = arith.constant 0 : i32
      %dma_wait3A_146 = arith.constant 0 : i32
      %dma_wait3A_147 = tpu.memref_slice %arg8[%dma_wait3A_145, %dma_wait3A_146] : memref<6x2560xi32, #tpu.memory_space<vmem>> -> memref<4x2560xi32, #tpu.memory_space<vmem>>
      %dma_wait3A_148 = arith.constant 0 : i32
      %dma_wait3A_149 = tpu.memref_slice %arg4[%mul3A_6, %dma_wait3A_148] : memref<64x2560xi32, #tpu.memory_space<hbm>> -> memref<4x2560xi32, #tpu.memory_space<hbm>>
      tpu.wait_dma2 semaphore(%run_scoped3A_129 : memref<!tpu.dma_semaphore, #tpu.memory_space<semaphore_mem>>) src(%dma_wait3A_149 : memref<4x2560xi32, #tpu.memory_space<hbm>>) dst(%dma_wait3A_147 : memref<4x2560xi32, #tpu.memory_space<vmem>>)
      tpu.yield
    }) : () -> ()
    %mul3A_7 = arith.constant 2 : i32
    %mul3A_8 = arith.muli %mul3A_7, %add3A : i32
    "tpu.region"() ({
      %run_scoped3A_129 = tpu.sem_alloc : memref<!tpu.dma_semaphore, #tpu.memory_space<semaphore_mem>>
      %dma_start3A_130 = arith.constant 4 : i32
      %dma_start3A_131 = arith.constant 0 : i32
      %dma_start3A_132 = tpu.memref_slice %arg7[%dma_start3A_130, %dma_start3A_131] : memref<6x2560xi32, #tpu.memory_space<vmem>> -> memref<2x2560xi32, #tpu.memory_space<vmem>>
      %dma_start3A_133 = arith.constant 0 : i32
      %dma_start3A_134 = tpu.memref_slice %arg3[%mul3A_8, %dma_start3A_133] : memref<64x2560xi32, #tpu.memory_space<hbm>> -> memref<2x2560xi32, #tpu.memory_space<hbm>>
      %dma_start3A_135 = arith.constant 4 : i32
      %dma_start3A_136 = arith.constant 0 : i32
      %dma_start3A_137 = tpu.memref_slice %arg7[%dma_start3A_135, %dma_start3A_136] : memref<6x2560xi32, #tpu.memory_space<vmem>> -> memref<2x2560xi32, #tpu.memory_space<vmem>>
      %dma_start3A_138 = arith.constant 0 : i32
      %dma_start3A_139 = tpu.memref_slice %arg3[%mul3A_8, %dma_start3A_138] : memref<64x2560xi32, #tpu.memory_space<hbm>> -> memref<2x2560xi32, #tpu.memory_space<hbm>>
      tpu.enqueue_dma source(%dma_start3A_139 : memref<2x2560xi32, #tpu.memory_space<hbm>>) target(%dma_start3A_137 : memref<2x2560xi32, #tpu.memory_space<vmem>>) target_semaphore(%run_scoped3A_129 : memref<!tpu.dma_semaphore, #tpu.memory_space<semaphore_mem>>)
      %dma_wait3A_140 = arith.constant 4 : i32
      %dma_wait3A_141 = arith.constant 0 : i32
      %dma_wait3A_142 = tpu.memref_slice %arg7[%dma_wait3A_140, %dma_wait3A_141] : memref<6x2560xi32, #tpu.memory_space<vmem>> -> memref<2x2560xi32, #tpu.memory_space<vmem>>
      %dma_wait3A_143 = arith.constant 0 : i32
      %dma_wait3A_144 = tpu.memref_slice %arg3[%mul3A_8, %dma_wait3A_143] : memref<64x2560xi32, #tpu.memory_space<hbm>> -> memref<2x2560xi32, #tpu.memory_space<hbm>>
      %dma_wait3A_145 = arith.constant 4 : i32
      %dma_wait3A_146 = arith.constant 0 : i32
      %dma_wait3A_147 = tpu.memref_slice %arg7[%dma_wait3A_145, %dma_wait3A_146] : memref<6x2560xi32, #tpu.memory_space<vmem>> -> memref<2x2560xi32, #tpu.memory_space<vmem>>
      %dma_wait3A_148 = arith.constant 0 : i32
      %dma_wait3A_149 = tpu.memref_slice %arg3[%mul3A_8, %dma_wait3A_148] : memref<64x2560xi32, #tpu.memory_space<hbm>> -> memref<2x2560xi32, #tpu.memory_space<hbm>>
      tpu.wait_dma2 semaphore(%run_scoped3A_129 : memref<!tpu.dma_semaphore, #tpu.memory_space<semaphore_mem>>) src(%dma_wait3A_149 : memref<2x2560xi32, #tpu.memory_space<hbm>>) dst(%dma_wait3A_147 : memref<2x2560xi32, #tpu.memory_space<vmem>>)
      tpu.yield
    }) : () -> ()
    %mul3A_9 = arith.constant 2 : i32
    %mul3A_10 = arith.muli %mul3A_9, %add3A : i32
    "tpu.region"() ({
      %run_scoped3A_129 = tpu.sem_alloc : memref<!tpu.dma_semaphore, #tpu.memory_space<semaphore_mem>>
      %dma_start3A_130 = arith.constant 4 : i32
      %dma_start3A_131 = arith.constant 0 : i32
      %dma_start3A_132 = tpu.memref_slice %arg8[%dma_start3A_130, %dma_start3A_131] : memref<6x2560xi32, #tpu.memory_space<vmem>> -> memref<2x2560xi32, #tpu.memory_space<vmem>>
      %dma_start3A_133 = arith.constant 0 : i32
      %dma_start3A_134 = tpu.memref_slice %arg4[%mul3A_10, %dma_start3A_133] : memref<64x2560xi32, #tpu.memory_space<hbm>> -> memref<2x2560xi32, #tpu.memory_space<hbm>>
      %dma_start3A_135 = arith.constant 4 : i32
      %dma_start3A_136 = arith.constant 0 : i32
      %dma_start3A_137 = tpu.memref_slice %arg8[%dma_start3A_135, %dma_start3A_136] : memref<6x2560xi32, #tpu.memory_space<vmem>> -> memref<2x2560xi32, #tpu.memory_space<vmem>>
      %dma_start3A_138 = arith.constant 0 : i32
      %dma_start3A_139 = tpu.memref_slice %arg4[%mul3A_10, %dma_start3A_138] : memref<64x2560xi32, #tpu.memory_space<hbm>> -> memref<2x2560xi32, #tpu.memory_space<hbm>>
      tpu.enqueue_dma source(%dma_start3A_139 : memref<2x2560xi32, #tpu.memory_space<hbm>>) target(%dma_start3A_137 : memref<2x2560xi32, #tpu.memory_space<vmem>>) target_semaphore(%run_scoped3A_129 : memref<!tpu.dma_semaphore, #tpu.memory_space<semaphore_mem>>)
      %dma_wait3A_140 = arith.constant 4 : i32
      %dma_wait3A_141 = arith.constant 0 : i32
      %dma_wait3A_142 = tpu.memref_slice %arg8[%dma_wait3A_140, %dma_wait3A_141] : memref<6x2560xi32, #tpu.memory_space<vmem>> -> memref<2x2560xi32, #tpu.memory_space<vmem>>
      %dma_wait3A_143 = arith.constant 0 : i32
      %dma_wait3A_144 = tpu.memref_slice %arg4[%mul3A_10, %dma_wait3A_143] : memref<64x2560xi32, #tpu.memory_space<hbm>> -> memref<2x2560xi32, #tpu.memory_space<hbm>>
      %dma_wait3A_145 = arith.constant 4 : i32
      %dma_wait3A_146 = arith.constant 0 : i32
      %dma_wait3A_147 = tpu.memref_slice %arg8[%dma_wait3A_145, %dma_wait3A_146] : memref<6x2560xi32, #tpu.memory_space<vmem>> -> memref<2x2560xi32, #tpu.memory_space<vmem>>
      %dma_wait3A_148 = arith.constant 0 : i32
      %dma_wait3A_149 = tpu.memref_slice %arg4[%mul3A_10, %dma_wait3A_148] : memref<64x2560xi32, #tpu.memory_space<hbm>> -> memref<2x2560xi32, #tpu.memory_space<hbm>>
      tpu.wait_dma2 semaphore(%run_scoped3A_129 : memref<!tpu.dma_semaphore, #tpu.memory_space<semaphore_mem>>) src(%dma_wait3A_149 : memref<2x2560xi32, #tpu.memory_space<hbm>>) dst(%dma_wait3A_147 : memref<2x2560xi32, #tpu.memory_space<vmem>>)
      tpu.yield
    }) : () -> ()
    "tpu.region"() ({
      %run_scoped3A_129 = tpu.sem_alloc : memref<!tpu.dma_semaphore, #tpu.memory_space<semaphore_mem>>
      tpu.enqueue_dma source(%arg5 : memref<16xf32, #tpu.memory_space<hbm>>) target(%arg12 : memref<16xf32, #tpu.memory_space<vmem>>) target_semaphore(%run_scoped3A_129 : memref<!tpu.dma_semaphore, #tpu.memory_space<semaphore_mem>>)
      tpu.wait_dma2 semaphore(%run_scoped3A_129 : memref<!tpu.dma_semaphore, #tpu.memory_space<semaphore_mem>>) src(%arg5 : memref<16xf32, #tpu.memory_space<hbm>>) dst(%arg12 : memref<16xf32, #tpu.memory_space<vmem>>)
      tpu.yield
    }) : () -> ()
    %dma_start3A = arith.constant 0 : i32
    %dma_start3A_11 = arith.constant 0 : i32
    %dma_start3A_12 = tpu.memref_slice %arg7[%dma_start3A, %dma_start3A_11] : memref<6x2560xi32, #tpu.memory_space<vmem>> -> memref<1x2560xi32, #tpu.memory_space<vmem>>
    %dma_start3A_13 = tpu.memref_squeeze %dma_start3A_12 : memref<1x2560xi32, #tpu.memory_space<vmem>> -> memref<2560xi32, #tpu.memory_space<vmem>>
    %dma_start3A_14 = arith.constant 0 : i32
    %dma_start3A_15 = arith.constant 0 : i32
    %dma_start3A_16 = tpu.memref_slice %arg2[%dma_start3A_14, %dma_start3A_15] : memref<10000x16xf32, #tpu.memory_space<hbm>> -> memref<10000x16xf32, #tpu.memory_space<hbm>>
    tpu.enqueue_indirect_dma source(%dma_start3A_16 : memref<10000x16xf32, #tpu.memory_space<hbm>>) target(%arg9 : memref<2560x16xf32, #tpu.memory_space<vmem>>) offsets(%dma_start3A_13 : memref<2560xi32, #tpu.memory_space<vmem>>) semaphore(%arg14 : memref<!tpu.dma_semaphore, #tpu.memory_space<semaphore_mem>>)
    %dma_start3A_17 = arith.constant 1 : i32
    %dma_start3A_18 = arith.constant 0 : i32
    %dma_start3A_19 = tpu.memref_slice %arg7[%dma_start3A_17, %dma_start3A_18] : memref<6x2560xi32, #tpu.memory_space<vmem>> -> memref<1x2560xi32, #tpu.memory_space<vmem>>
    %dma_start3A_20 = tpu.memref_squeeze %dma_start3A_19 : memref<1x2560xi32, #tpu.memory_space<vmem>> -> memref<2560xi32, #tpu.memory_space<vmem>>
    %dma_start3A_21 = arith.constant 0 : i32
    %dma_start3A_22 = arith.constant 0 : i32
    %dma_start3A_23 = tpu.memref_slice %arg2[%dma_start3A_21, %dma_start3A_22] : memref<10000x16xf32, #tpu.memory_space<hbm>> -> memref<10000x16xf32, #tpu.memory_space<hbm>>
    tpu.enqueue_indirect_dma source(%dma_start3A_23 : memref<10000x16xf32, #tpu.memory_space<hbm>>) target(%arg10 : memref<2560x16xf32, #tpu.memory_space<vmem>>) offsets(%dma_start3A_20 : memref<2560xi32, #tpu.memory_space<vmem>>) semaphore(%arg15 : memref<!tpu.dma_semaphore, #tpu.memory_space<semaphore_mem>>)
    %broadcast_in_dim3A = arith.constant 0.000000e+00 : f32
    %broadcast_in_dim3A_24 = vector.broadcast %broadcast_in_dim3A : f32 to vector<16xf32>
    %scan3A = arith.constant 0 : i32
    %scan3A_25 = arith.constant 0 : i32
    %scan3A_26 = arith.constant 80 : i32
    %scan3A_27 = arith.addi %scan3A_25, %scan3A_26 : i32
    %scan3A_28 = arith.constant 1 : i32
    scf.for %scan3A_129 = %scan3A_25 to %scan3A_27 step %scan3A_28  : i32 {
      %mul3A_130 = arith.constant 4 : i32
      %mul3A_131 = arith.muli %scan3A_129, %mul3A_130 : i32
      %add3A_132 = arith.constant 0 : i32
      %add3A_133 = arith.addi %mul3A_131, %add3A_132 : i32
      %swap3A = arith.index_cast %add3A_133 : i32 to index
      %swap3A_134 = arith.constant 0 : index
      %swap3A_135 = tpu.vector_load %arg11[%swap3A, %swap3A_134] {strides = array<i32>} : memref<320x16xf32, #tpu.memory_space<vmem>>, vector<1x16xf32>,
      %swap3A_136 = vector.shape_cast %swap3A_135 : vector<1x16xf32> to vector<16xf32>
      %swap3A_137 = vector.shape_cast %broadcast_in_dim3A_24 : vector<16xf32> to vector<1x16xf32>
      tpu.vector_store %arg11[%swap3A, %swap3A_134], %swap3A_137 {strides = array<i32>} : memref<320x16xf32, #tpu.memory_space<vmem>>, vector<1x16xf32>,
      %mul3A_138 = arith.constant 4 : i32
      %mul3A_139 = arith.muli %scan3A_129, %mul3A_138 : i32
      %add3A_140 = arith.constant 1 : i32
      %add3A_141 = arith.addi %mul3A_139, %add3A_140 : i32
      %swap3A_142 = arith.index_cast %add3A_141 : i32 to index
      %swap3A_143 = arith.constant 0 : index
      %swap3A_144 = tpu.vector_load %arg11[%swap3A_142, %swap3A_143] {strides = array<i32>} : memref<320x16xf32, #tpu.memory_space<vmem>>, vector<1x16xf32>,
      %swap3A_145 = vector.shape_cast %swap3A_144 : vector<1x16xf32> to vector<16xf32>
      %swap3A_146 = vector.shape_cast %broadcast_in_dim3A_24 : vector<16xf32> to vector<1x16xf32>
      tpu.vector_store %arg11[%swap3A_142, %swap3A_143], %swap3A_146 {strides = array<i32>} : memref<320x16xf32, #tpu.memory_space<vmem>>, vector<1x16xf32>,
      %mul3A_147 = arith.constant 4 : i32
      %mul3A_148 = arith.muli %scan3A_129, %mul3A_147 : i32
      %add3A_149 = arith.constant 2 : i32
      %add3A_150 = arith.addi %mul3A_148, %add3A_149 : i32
      %swap3A_151 = arith.index_cast %add3A_150 : i32 to index
      %swap3A_152 = arith.constant 0 : index
      %swap3A_153 = tpu.vector_load %arg11[%swap3A_151, %swap3A_152] {strides = array<i32>} : memref<320x16xf32, #tpu.memory_space<vmem>>, vector<1x16xf32>,
      %swap3A_154 = vector.shape_cast %swap3A_153 : vector<1x16xf32> to vector<16xf32>
      %swap3A_155 = vector.shape_cast %broadcast_in_dim3A_24 : vector<16xf32> to vector<1x16xf32>
      tpu.vector_store %arg11[%swap3A_151, %swap3A_152], %swap3A_155 {strides = array<i32>} : memref<320x16xf32, #tpu.memory_space<vmem>>, vector<1x16xf32>,
      %mul3A_156 = arith.constant 4 : i32
      %mul3A_157 = arith.muli %scan3A_129, %mul3A_156 : i32
      %add3A_158 = arith.constant 3 : i32
      %add3A_159 = arith.addi %mul3A_157, %add3A_158 : i32
      %swap3A_160 = arith.index_cast %add3A_159 : i32 to index
      %swap3A_161 = arith.constant 0 : index
      %swap3A_162 = tpu.vector_load %arg11[%swap3A_160, %swap3A_161] {strides = array<i32>} : memref<320x16xf32, #tpu.memory_space<vmem>>, vector<1x16xf32>,
      %swap3A_163 = vector.shape_cast %swap3A_162 : vector<1x16xf32> to vector<16xf32>
      %swap3A_164 = vector.shape_cast %broadcast_in_dim3A_24 : vector<16xf32> to vector<1x16xf32>
      tpu.vector_store %arg11[%swap3A_160, %swap3A_161], %swap3A_164 {strides = array<i32>} : memref<320x16xf32, #tpu.memory_space<vmem>>, vector<1x16xf32>,
    }
    %scan3A_29 = arith.constant 80 : i32
    %mul3A_30 = arith.constant 640 : i32
    %mul3A_31 = arith.muli %arg1, %mul3A_30 : i32
    "tpu.region"() ({
      %run_scoped3A_129 = tpu.sem_alloc : memref<!tpu.dma_semaphore, #tpu.memory_space<semaphore_mem>>
      %dma_start3A_130 = arith.constant 0 : i32
      %dma_start3A_131 = tpu.memref_slice %arg13[%mul3A_31, %dma_start3A_130] : memref<10240x16xf32, #tpu.memory_space<vmem_shared>> -> memref<320x16xf32, #tpu.memory_space<vmem_shared>>
      %dma_start3A_132 = arith.constant 0 : i32
      %dma_start3A_133 = tpu.memref_slice %arg13[%mul3A_31, %dma_start3A_132] : memref<10240x16xf32, #tpu.memory_space<vmem_shared>> -> memref<320x16xf32, #tpu.memory_space<vmem_shared>>
      tpu.enqueue_dma source(%arg11 : memref<320x16xf32, #tpu.memory_space<vmem>>) target(%dma_start3A_133 : memref<320x16xf32, #tpu.memory_space<vmem_shared>>) target_semaphore(%run_scoped3A_129 : memref<!tpu.dma_semaphore, #tpu.memory_space<semaphore_mem>>)
      %dma_wait3A_134 = arith.constant 0 : i32
      %dma_wait3A_135 = tpu.memref_slice %arg13[%mul3A_31, %dma_wait3A_134] : memref<10240x16xf32, #tpu.memory_space<vmem_shared>> -> memref<320x16xf32, #tpu.memory_space<vmem_shared>>
      %dma_wait3A_136 = arith.constant 0 : i32
      %dma_wait3A_137 = tpu.memref_slice %arg13[%mul3A_31, %dma_wait3A_136] : memref<10240x16xf32, #tpu.memory_space<vmem_shared>> -> memref<320x16xf32, #tpu.memory_space<vmem_shared>>
      tpu.wait_dma2 semaphore(%run_scoped3A_129 : memref<!tpu.dma_semaphore, #tpu.memory_space<semaphore_mem>>) src(%arg11 : memref<320x16xf32, #tpu.memory_space<vmem>>) dst(%dma_wait3A_137 : memref<320x16xf32, #tpu.memory_space<vmem_shared>>)
      tpu.yield
    }) : () -> ()
    %mul3A_32 = arith.constant 640 : i32
    %mul3A_33 = arith.muli %arg1, %mul3A_32 : i32
    %add3A_34 = arith.constant 320 : i32
    %add3A_35 = arith.addi %mul3A_33, %add3A_34 : i32
    "tpu.region"() ({
      %run_scoped3A_129 = tpu.sem_alloc : memref<!tpu.dma_semaphore, #tpu.memory_space<semaphore_mem>>
      %dma_start3A_130 = arith.constant 0 : i32
      %dma_start3A_131 = tpu.memref_slice %arg13[%add3A_35, %dma_start3A_130] : memref<10240x16xf32, #tpu.memory_space<vmem_shared>> -> memref<320x16xf32, #tpu.memory_space<vmem_shared>>
      %dma_start3A_132 = arith.constant 0 : i32
      %dma_start3A_133 = tpu.memref_slice %arg13[%add3A_35, %dma_start3A_132] : memref<10240x16xf32, #tpu.memory_space<vmem_shared>> -> memref<320x16xf32, #tpu.memory_space<vmem_shared>>
      tpu.enqueue_dma source(%arg11 : memref<320x16xf32, #tpu.memory_space<vmem>>) target(%dma_start3A_133 : memref<320x16xf32, #tpu.memory_space<vmem_shared>>) target_semaphore(%run_scoped3A_129 : memref<!tpu.dma_semaphore, #tpu.memory_space<semaphore_mem>>)
      %dma_wait3A_134 = arith.constant 0 : i32
      %dma_wait3A_135 = tpu.memref_slice %arg13[%add3A_35, %dma_wait3A_134] : memref<10240x16xf32, #tpu.memory_space<vmem_shared>> -> memref<320x16xf32, #tpu.memory_space<vmem_shared>>
      %dma_wait3A_136 = arith.constant 0 : i32
      %dma_wait3A_137 = tpu.memref_slice %arg13[%add3A_35, %dma_wait3A_136] : memref<10240x16xf32, #tpu.memory_space<vmem_shared>> -> memref<320x16xf32, #tpu.memory_space<vmem_shared>>
      tpu.wait_dma2 semaphore(%run_scoped3A_129 : memref<!tpu.dma_semaphore, #tpu.memory_space<semaphore_mem>>) src(%arg11 : memref<320x16xf32, #tpu.memory_space<vmem>>) dst(%dma_wait3A_137 : memref<320x16xf32, #tpu.memory_space<vmem_shared>>)
      tpu.yield
    }) : () -> ()
    %barrier3A = arith.constant 0 : index
    tpu.barrier barrier_id(%barrier3A)
    %dma_wait3A = arith.constant 0 : i32
    %dma_wait3A_36 = arith.constant 0 : i32
    %dma_wait3A_37 = tpu.memref_slice %arg7[%dma_wait3A, %dma_wait3A_36] : memref<6x2560xi32, #tpu.memory_space<vmem>> -> memref<1x2560xi32, #tpu.memory_space<vmem>>
    %dma_wait3A_38 = tpu.memref_squeeze %dma_wait3A_37 : memref<1x2560xi32, #tpu.memory_space<vmem>> -> memref<2560xi32, #tpu.memory_space<vmem>>
    %dma_wait3A_39 = arith.constant 0 : i32
    %dma_wait3A_40 = arith.constant 0 : i32
    %dma_wait3A_41 = tpu.memref_slice %arg2[%dma_wait3A_39, %dma_wait3A_40] : memref<10000x16xf32, #tpu.memory_space<hbm>> -> memref<10000x16xf32, #tpu.memory_space<hbm>>
    tpu.wait_indirect_dma semaphore(%arg14 : memref<!tpu.dma_semaphore, #tpu.memory_space<semaphore_mem>>) src(%dma_wait3A_41 : memref<10000x16xf32, #tpu.memory_space<hbm>>) dst(%arg9 : memref<2560x16xf32, #tpu.memory_space<vmem>>)
    %run_scoped3A = arith.constant 0 : i32
    "tpu.region"() ({
      %run_scoped3A_129 = tpu.sem_alloc : memref<!tpu.dma_semaphore, #tpu.memory_space<semaphore_mem>>
      %dma_start3A_130 = arith.constant 0 : i32
      %dma_start3A_131 = tpu.memref_slice %arg8[%run_scoped3A, %dma_start3A_130] : memref<6x2560xi32, #tpu.memory_space<vmem>> -> memref<1x2560xi32, #tpu.memory_space<vmem>>
      %dma_start3A_132 = tpu.memref_squeeze %dma_start3A_131 : memref<1x2560xi32, #tpu.memory_space<vmem>> -> memref<2560xi32, #tpu.memory_space<vmem>>
      %dma_start3A_133 = arith.constant 0 : i32
      %dma_start3A_134 = arith.constant 0 : i32
      %dma_start3A_135 = tpu.memref_slice %arg13[%dma_start3A_133, %dma_start3A_134] : memref<10240x16xf32, #tpu.memory_space<vmem_shared>> -> memref<10240x16xf32, #tpu.memory_space<vmem_shared>>
      tpu.enqueue_indirect_dma source(%arg9 : memref<2560x16xf32, #tpu.memory_space<vmem>>) target(%dma_start3A_135 : memref<10240x16xf32, #tpu.memory_space<vmem_shared>>) offsets(%dma_start3A_132 : memref<2560xi32, #tpu.memory_space<vmem>>) semaphore(%run_scoped3A_129 : memref<!tpu.dma_semaphore, #tpu.memory_space<semaphore_mem>>) {add = true}
      %dma_wait3A_136 = arith.constant 0 : i32
      %dma_wait3A_137 = tpu.memref_slice %arg8[%run_scoped3A, %dma_wait3A_136] : memref<6x2560xi32, #tpu.memory_space<vmem>> -> memref<1x2560xi32, #tpu.memory_space<vmem>>
      %dma_wait3A_138 = tpu.memref_squeeze %dma_wait3A_137 : memref<1x2560xi32, #tpu.memory_space<vmem>> -> memref<2560xi32, #tpu.memory_space<vmem>>
      %dma_wait3A_139 = arith.constant 0 : i32
      %dma_wait3A_140 = arith.constant 0 : i32
      %dma_wait3A_141 = tpu.memref_slice %arg13[%dma_wait3A_139, %dma_wait3A_140] : memref<10240x16xf32, #tpu.memory_space<vmem_shared>> -> memref<10240x16xf32, #tpu.memory_space<vmem_shared>>
      tpu.wait_indirect_dma semaphore(%run_scoped3A_129 : memref<!tpu.dma_semaphore, #tpu.memory_space<semaphore_mem>>) src(%arg9 : memref<2560x16xf32, #tpu.memory_space<vmem>>) dst(%dma_wait3A_141 : memref<10240x16xf32, #tpu.memory_space<vmem_shared>>)
      tpu.yield
    }) : () -> ()
    %dma_start3A_42 = arith.constant 2 : i32
    %dma_start3A_43 = arith.constant 0 : i32
    %dma_start3A_44 = tpu.memref_slice %arg7[%dma_start3A_42, %dma_start3A_43] : memref<6x2560xi32, #tpu.memory_space<vmem>> -> memref<1x2560xi32, #tpu.memory_space<vmem>>
    %dma_start3A_45 = tpu.memref_squeeze %dma_start3A_44 : memref<1x2560xi32, #tpu.memory_space<vmem>> -> memref<2560xi32, #tpu.memory_space<vmem>>
    %dma_start3A_46 = arith.constant 0 : i32
    %dma_start3A_47 = arith.constant 0 : i32
    %dma_start3A_48 = tpu.memref_slice %arg2[%dma_start3A_46, %dma_start3A_47] : memref<10000x16xf32, #tpu.memory_space<hbm>> -> memref<10000x16xf32, #tpu.memory_space<hbm>>
    tpu.enqueue_indirect_dma source(%dma_start3A_48 : memref<10000x16xf32, #tpu.memory_space<hbm>>) target(%arg9 : memref<2560x16xf32, #tpu.memory_space<vmem>>) offsets(%dma_start3A_45 : memref<2560xi32, #tpu.memory_space<vmem>>) semaphore(%arg14 : memref<!tpu.dma_semaphore, #tpu.memory_space<semaphore_mem>>)
    %dma_wait3A_49 = arith.constant 1 : i32
    %dma_wait3A_50 = arith.constant 0 : i32
    %dma_wait3A_51 = tpu.memref_slice %arg7[%dma_wait3A_49, %dma_wait3A_50] : memref<6x2560xi32, #tpu.memory_space<vmem>> -> memref<1x2560xi32, #tpu.memory_space<vmem>>
    %dma_wait3A_52 = tpu.memref_squeeze %dma_wait3A_51 : memref<1x2560xi32, #tpu.memory_space<vmem>> -> memref<2560xi32, #tpu.memory_space<vmem>>
    %dma_wait3A_53 = arith.constant 0 : i32
    %dma_wait3A_54 = arith.constant 0 : i32
    %dma_wait3A_55 = tpu.memref_slice %arg2[%dma_wait3A_53, %dma_wait3A_54] : memref<10000x16xf32, #tpu.memory_space<hbm>> -> memref<10000x16xf32, #tpu.memory_space<hbm>>
    tpu.wait_indirect_dma semaphore(%arg15 : memref<!tpu.dma_semaphore, #tpu.memory_space<semaphore_mem>>) src(%dma_wait3A_55 : memref<10000x16xf32, #tpu.memory_space<hbm>>) dst(%arg10 : memref<2560x16xf32, #tpu.memory_space<vmem>>)
    %run_scoped3A_56 = arith.constant 1 : i32
    "tpu.region"() ({
      %run_scoped3A_129 = tpu.sem_alloc : memref<!tpu.dma_semaphore, #tpu.memory_space<semaphore_mem>>
      %dma_start3A_130 = arith.constant 0 : i32
      %dma_start3A_131 = tpu.memref_slice %arg8[%run_scoped3A_56, %dma_start3A_130] : memref<6x2560xi32, #tpu.memory_space<vmem>> -> memref<1x2560xi32, #tpu.memory_space<vmem>>
      %dma_start3A_132 = tpu.memref_squeeze %dma_start3A_131 : memref<1x2560xi32, #tpu.memory_space<vmem>> -> memref<2560xi32, #tpu.memory_space<vmem>>
      %dma_start3A_133 = arith.constant 0 : i32
      %dma_start3A_134 = arith.constant 0 : i32
      %dma_start3A_135 = tpu.memref_slice %arg13[%dma_start3A_133, %dma_start3A_134] : memref<10240x16xf32, #tpu.memory_space<vmem_shared>> -> memref<10240x16xf32, #tpu.memory_space<vmem_shared>>
      tpu.enqueue_indirect_dma source(%arg10 : memref<2560x16xf32, #tpu.memory_space<vmem>>) target(%dma_start3A_135 : memref<10240x16xf32, #tpu.memory_space<vmem_shared>>) offsets(%dma_start3A_132 : memref<2560xi32, #tpu.memory_space<vmem>>) semaphore(%run_scoped3A_129 : memref<!tpu.dma_semaphore, #tpu.memory_space<semaphore_mem>>) {add = true}
      %dma_wait3A_136 = arith.constant 0 : i32
      %dma_wait3A_137 = tpu.memref_slice %arg8[%run_scoped3A_56, %dma_wait3A_136] : memref<6x2560xi32, #tpu.memory_space<vmem>> -> memref<1x2560xi32, #tpu.memory_space<vmem>>
      %dma_wait3A_138 = tpu.memref_squeeze %dma_wait3A_137 : memref<1x2560xi32, #tpu.memory_space<vmem>> -> memref<2560xi32, #tpu.memory_space<vmem>>
      %dma_wait3A_139 = arith.constant 0 : i32
      %dma_wait3A_140 = arith.constant 0 : i32
      %dma_wait3A_141 = tpu.memref_slice %arg13[%dma_wait3A_139, %dma_wait3A_140] : memref<10240x16xf32, #tpu.memory_space<vmem_shared>> -> memref<10240x16xf32, #tpu.memory_space<vmem_shared>>
      tpu.wait_indirect_dma semaphore(%run_scoped3A_129 : memref<!tpu.dma_semaphore, #tpu.memory_space<semaphore_mem>>) src(%arg10 : memref<2560x16xf32, #tpu.memory_space<vmem>>) dst(%dma_wait3A_141 : memref<10240x16xf32, #tpu.memory_space<vmem_shared>>)
      tpu.yield
    }) : () -> ()
    %dma_start3A_57 = arith.constant 3 : i32
    %dma_start3A_58 = arith.constant 0 : i32
    %dma_start3A_59 = tpu.memref_slice %arg7[%dma_start3A_57, %dma_start3A_58] : memref<6x2560xi32, #tpu.memory_space<vmem>> -> memref<1x2560xi32, #tpu.memory_space<vmem>>
    %dma_start3A_60 = tpu.memref_squeeze %dma_start3A_59 : memref<1x2560xi32, #tpu.memory_space<vmem>> -> memref<2560xi32, #tpu.memory_space<vmem>>
    %dma_start3A_61 = arith.constant 0 : i32
    %dma_start3A_62 = arith.constant 0 : i32
    %dma_start3A_63 = tpu.memref_slice %arg2[%dma_start3A_61, %dma_start3A_62] : memref<10000x16xf32, #tpu.memory_space<hbm>> -> memref<10000x16xf32, #tpu.memory_space<hbm>>
    tpu.enqueue_indirect_dma source(%dma_start3A_63 : memref<10000x16xf32, #tpu.memory_space<hbm>>) target(%arg10 : memref<2560x16xf32, #tpu.memory_space<vmem>>) offsets(%dma_start3A_60 : memref<2560xi32, #tpu.memory_space<vmem>>) semaphore(%arg15 : memref<!tpu.dma_semaphore, #tpu.memory_space<semaphore_mem>>)
    %dma_wait3A_64 = arith.constant 2 : i32
    %dma_wait3A_65 = arith.constant 0 : i32
    %dma_wait3A_66 = tpu.memref_slice %arg7[%dma_wait3A_64, %dma_wait3A_65] : memref<6x2560xi32, #tpu.memory_space<vmem>> -> memref<1x2560xi32, #tpu.memory_space<vmem>>
    %dma_wait3A_67 = tpu.memref_squeeze %dma_wait3A_66 : memref<1x2560xi32, #tpu.memory_space<vmem>> -> memref<2560xi32, #tpu.memory_space<vmem>>
    %dma_wait3A_68 = arith.constant 0 : i32
    %dma_wait3A_69 = arith.constant 0 : i32
    %dma_wait3A_70 = tpu.memref_slice %arg2[%dma_wait3A_68, %dma_wait3A_69] : memref<10000x16xf32, #tpu.memory_space<hbm>> -> memref<10000x16xf32, #tpu.memory_space<hbm>>
    tpu.wait_indirect_dma semaphore(%arg14 : memref<!tpu.dma_semaphore, #tpu.memory_space<semaphore_mem>>) src(%dma_wait3A_70 : memref<10000x16xf32, #tpu.memory_space<hbm>>) dst(%arg9 : memref<2560x16xf32, #tpu.memory_space<vmem>>)
    %run_scoped3A_71 = arith.constant 2 : i32
    "tpu.region"() ({
      %run_scoped3A_129 = tpu.sem_alloc : memref<!tpu.dma_semaphore, #tpu.memory_space<semaphore_mem>>
      %dma_start3A_130 = arith.constant 0 : i32
      %dma_start3A_131 = tpu.memref_slice %arg8[%run_scoped3A_71, %dma_start3A_130] : memref<6x2560xi32, #tpu.memory_space<vmem>> -> memref<1x2560xi32, #tpu.memory_space<vmem>>
      %dma_start3A_132 = tpu.memref_squeeze %dma_start3A_131 : memref<1x2560xi32, #tpu.memory_space<vmem>> -> memref<2560xi32, #tpu.memory_space<vmem>>
      %dma_start3A_133 = arith.constant 0 : i32
      %dma_start3A_134 = arith.constant 0 : i32
      %dma_start3A_135 = tpu.memref_slice %arg13[%dma_start3A_133, %dma_start3A_134] : memref<10240x16xf32, #tpu.memory_space<vmem_shared>> -> memref<10240x16xf32, #tpu.memory_space<vmem_shared>>
      tpu.enqueue_indirect_dma source(%arg9 : memref<2560x16xf32, #tpu.memory_space<vmem>>) target(%dma_start3A_135 : memref<10240x16xf32, #tpu.memory_space<vmem_shared>>) offsets(%dma_start3A_132 : memref<2560xi32, #tpu.memory_space<vmem>>) semaphore(%run_scoped3A_129 : memref<!tpu.dma_semaphore, #tpu.memory_space<semaphore_mem>>) {add = true}
      %dma_wait3A_136 = arith.constant 0 : i32
      %dma_wait3A_137 = tpu.memref_slice %arg8[%run_scoped3A_71, %dma_wait3A_136] : memref<6x2560xi32, #tpu.memory_space<vmem>> -> memref<1x2560xi32, #tpu.memory_space<vmem>>
      %dma_wait3A_138 = tpu.memref_squeeze %dma_wait3A_137 : memref<1x2560xi32, #tpu.memory_space<vmem>> -> memref<2560xi32, #tpu.memory_space<vmem>>
      %dma_wait3A_139 = arith.constant 0 : i32
      %dma_wait3A_140 = arith.constant 0 : i32
      %dma_wait3A_141 = tpu.memref_slice %arg13[%dma_wait3A_139, %dma_wait3A_140] : memref<10240x16xf32, #tpu.memory_space<vmem_shared>> -> memref<10240x16xf32, #tpu.memory_space<vmem_shared>>
      tpu.wait_indirect_dma semaphore(%run_scoped3A_129 : memref<!tpu.dma_semaphore, #tpu.memory_space<semaphore_mem>>) src(%arg9 : memref<2560x16xf32, #tpu.memory_space<vmem>>) dst(%dma_wait3A_141 : memref<10240x16xf32, #tpu.memory_space<vmem_shared>>)
      tpu.yield
    }) : () -> ()
    %dma_wait3A_72 = arith.constant 3 : i32
    %dma_wait3A_73 = arith.constant 0 : i32
    %dma_wait3A_74 = tpu.memref_slice %arg7[%dma_wait3A_72, %dma_wait3A_73] : memref<6x2560xi32, #tpu.memory_space<vmem>> -> memref<1x2560xi32, #tpu.memory_space<vmem>>
    %dma_wait3A_75 = tpu.memref_squeeze %dma_wait3A_74 : memref<1x2560xi32, #tpu.memory_space<vmem>> -> memref<2560xi32, #tpu.memory_space<vmem>>
    %dma_wait3A_76 = arith.constant 0 : i32
    %dma_wait3A_77 = arith.constant 0 : i32
    %dma_wait3A_78 = tpu.memref_slice %arg2[%dma_wait3A_76, %dma_wait3A_77] : memref<10000x16xf32, #tpu.memory_space<hbm>> -> memref<10000x16xf32, #tpu.memory_space<hbm>>
    tpu.wait_indirect_dma semaphore(%arg15 : memref<!tpu.dma_semaphore, #tpu.memory_space<semaphore_mem>>) src(%dma_wait3A_78 : memref<10000x16xf32, #tpu.memory_space<hbm>>) dst(%arg10 : memref<2560x16xf32, #tpu.memory_space<vmem>>)
    %run_scoped3A_79 = arith.constant 3 : i32
    "tpu.region"() ({
      %run_scoped3A_129 = tpu.sem_alloc : memref<!tpu.dma_semaphore, #tpu.memory_space<semaphore_mem>>
      %dma_start3A_130 = arith.constant 0 : i32
      %dma_start3A_131 = tpu.memref_slice %arg8[%run_scoped3A_79, %dma_start3A_130] : memref<6x2560xi32, #tpu.memory_space<vmem>> -> memref<1x2560xi32, #tpu.memory_space<vmem>>
      %dma_start3A_132 = tpu.memref_squeeze %dma_start3A_131 : memref<1x2560xi32, #tpu.memory_space<vmem>> -> memref<2560xi32, #tpu.memory_space<vmem>>
      %dma_start3A_133 = arith.constant 0 : i32
      %dma_start3A_134 = arith.constant 0 : i32
      %dma_start3A_135 = tpu.memref_slice %arg13[%dma_start3A_133, %dma_start3A_134] : memref<10240x16xf32, #tpu.memory_space<vmem_shared>> -> memref<10240x16xf32, #tpu.memory_space<vmem_shared>>
      tpu.enqueue_indirect_dma source(%arg10 : memref<2560x16xf32, #tpu.memory_space<vmem>>) target(%dma_start3A_135 : memref<10240x16xf32, #tpu.memory_space<vmem_shared>>) offsets(%dma_start3A_132 : memref<2560xi32, #tpu.memory_space<vmem>>) semaphore(%run_scoped3A_129 : memref<!tpu.dma_semaphore, #tpu.memory_space<semaphore_mem>>) {add = true}
      %dma_wait3A_136 = arith.constant 0 : i32
      %dma_wait3A_137 = tpu.memref_slice %arg8[%run_scoped3A_79, %dma_wait3A_136] : memref<6x2560xi32, #tpu.memory_space<vmem>> -> memref<1x2560xi32, #tpu.memory_space<vmem>>
      %dma_wait3A_138 = tpu.memref_squeeze %dma_wait3A_137 : memref<1x2560xi32, #tpu.memory_space<vmem>> -> memref<2560xi32, #tpu.memory_space<vmem>>
      %dma_wait3A_139 = arith.constant 0 : i32
      %dma_wait3A_140 = arith.constant 0 : i32
      %dma_wait3A_141 = tpu.memref_slice %arg13[%dma_wait3A_139, %dma_wait3A_140] : memref<10240x16xf32, #tpu.memory_space<vmem_shared>> -> memref<10240x16xf32, #tpu.memory_space<vmem_shared>>
      tpu.wait_indirect_dma semaphore(%run_scoped3A_129 : memref<!tpu.dma_semaphore, #tpu.memory_space<semaphore_mem>>) src(%arg10 : memref<2560x16xf32, #tpu.memory_space<vmem>>) dst(%dma_wait3A_141 : memref<10240x16xf32, #tpu.memory_space<vmem_shared>>)
      tpu.yield
    }) : () -> ()
    %barrier3A_80 = arith.constant 0 : index
    tpu.barrier barrier_id(%barrier3A_80)
    "tpu.region"() ({
      %run_scoped3A_129 = tpu.sem_alloc : memref<!tpu.dma_semaphore, #tpu.memory_space<semaphore_mem>>
      %dma_start3A_130 = arith.constant 0 : i32
      %dma_start3A_131 = arith.constant 0 : i32
      %dma_start3A_132 = tpu.memref_slice %arg9[%dma_start3A_130, %dma_start3A_131] : memref<2560x16xf32, #tpu.memory_space<vmem>> -> memref<640x16xf32, #tpu.memory_space<vmem>>
      %dma_start3A_133 = arith.constant 0 : i32
      %dma_start3A_134 = tpu.memref_slice %arg13[%mul3A_2, %dma_start3A_133] : memref<10240x16xf32, #tpu.memory_space<vmem_shared>> -> memref<640x16xf32, #tpu.memory_space<vmem_shared>>
      %dma_start3A_135 = arith.constant 0 : i32
      %dma_start3A_136 = arith.constant 0 : i32
      %dma_start3A_137 = tpu.memref_slice %arg9[%dma_start3A_135, %dma_start3A_136] : memref<2560x16xf32, #tpu.memory_space<vmem>> -> memref<640x16xf32, #tpu.memory_space<vmem>>
      %dma_start3A_138 = arith.constant 0 : i32
      %dma_start3A_139 = tpu.memref_slice %arg13[%mul3A_2, %dma_start3A_138] : memref<10240x16xf32, #tpu.memory_space<vmem_shared>> -> memref<640x16xf32, #tpu.memory_space<vmem_shared>>
      tpu.enqueue_dma source(%dma_start3A_139 : memref<640x16xf32, #tpu.memory_space<vmem_shared>>) target(%dma_start3A_137 : memref<640x16xf32, #tpu.memory_space<vmem>>) target_semaphore(%run_scoped3A_129 : memref<!tpu.dma_semaphore, #tpu.memory_space<semaphore_mem>>)
      %dma_wait3A_140 = arith.constant 0 : i32
      %dma_wait3A_141 = arith.constant 0 : i32
      %dma_wait3A_142 = tpu.memref_slice %arg9[%dma_wait3A_140, %dma_wait3A_141] : memref<2560x16xf32, #tpu.memory_space<vmem>> -> memref<640x16xf32, #tpu.memory_space<vmem>>
      %dma_wait3A_143 = arith.constant 0 : i32
      %dma_wait3A_144 = tpu.memref_slice %arg13[%mul3A_2, %dma_wait3A_143] : memref<10240x16xf32, #tpu.memory_space<vmem_shared>> -> memref<640x16xf32, #tpu.memory_space<vmem_shared>>
      %dma_wait3A_145 = arith.constant 0 : i32
      %dma_wait3A_146 = arith.constant 0 : i32
      %dma_wait3A_147 = tpu.memref_slice %arg9[%dma_wait3A_145, %dma_wait3A_146] : memref<2560x16xf32, #tpu.memory_space<vmem>> -> memref<640x16xf32, #tpu.memory_space<vmem>>
      %dma_wait3A_148 = arith.constant 0 : i32
      %dma_wait3A_149 = tpu.memref_slice %arg13[%mul3A_2, %dma_wait3A_148] : memref<10240x16xf32, #tpu.memory_space<vmem_shared>> -> memref<640x16xf32, #tpu.memory_space<vmem_shared>>
      tpu.wait_dma2 semaphore(%run_scoped3A_129 : memref<!tpu.dma_semaphore, #tpu.memory_space<semaphore_mem>>) src(%dma_wait3A_149 : memref<640x16xf32, #tpu.memory_space<vmem_shared>>) dst(%dma_wait3A_147 : memref<640x16xf32, #tpu.memory_space<vmem>>)
      tpu.yield
    }) : () -> ()
    %get3A = arith.constant 0 : index
    %get3A_81 = tpu.vector_load %arg12[%get3A] {strides = array<i32>} : memref<16xf32, #tpu.memory_space<vmem>>, vector<16xf32>,
    %get3A_82 = vector.shape_cast %get3A_81 : vector<16xf32> to vector<16xf32>
    %scan3A_83 = arith.constant 0 : i32
    %scan3A_84 = arith.constant 0 : i32
    %scan3A_85 = arith.constant 160 : i32
    %scan3A_86 = arith.addi %scan3A_84, %scan3A_85 : i32
    %scan3A_87 = arith.constant 1 : i32
    scf.for %scan3A_129 = %scan3A_84 to %scan3A_86 step %scan3A_87  : i32 {
      %mul3A_130 = arith.constant 4 : i32
      %mul3A_131 = arith.muli %scan3A_129, %mul3A_130 : i32
      %add3A_132 = arith.constant 0 : i32
      %add3A_133 = arith.addi %mul3A_131, %add3A_132 : i32
      %get3A_134 = arith.index_cast %add3A_133 : i32 to index
      %get3A_135 = arith.constant 0 : index
      %get3A_136 = tpu.vector_load %arg9[%get3A_134, %get3A_135] {strides = array<i32>} : memref<2560x16xf32, #tpu.memory_space<vmem>>, vector<1x16xf32>,
      %get3A_137 = vector.shape_cast %get3A_136 : vector<1x16xf32> to vector<16xf32>
      %add3A_138 = arith.addf %get3A_137, %get3A_82 : vector<16xf32>
      %max3A = arith.constant 0.000000e+00 : f32
      %max3A_139 = vector.broadcast %max3A : f32 to vector<16xf32>
      %max3A_140 = arith.maximumf %add3A_138, %max3A_139 : vector<16xf32>
      %swap3A = arith.index_cast %add3A_133 : i32 to index
      %swap3A_141 = arith.constant 0 : index
      %swap3A_142 = tpu.vector_load %arg9[%swap3A, %swap3A_141] {strides = array<i32>} : memref<2560x16xf32, #tpu.memory_space<vmem>>, vector<1x16xf32>,
      %swap3A_143 = vector.shape_cast %swap3A_142 : vector<1x16xf32> to vector<16xf32>
      %swap3A_144 = vector.shape_cast %max3A_140 : vector<16xf32> to vector<1x16xf32>
      tpu.vector_store %arg9[%swap3A, %swap3A_141], %swap3A_144 {strides = array<i32>} : memref<2560x16xf32, #tpu.memory_space<vmem>>, vector<1x16xf32>,
      %mul3A_145 = arith.constant 4 : i32
      %mul3A_146 = arith.muli %scan3A_129, %mul3A_145 : i32
      %add3A_147 = arith.constant 1 : i32
      %add3A_148 = arith.addi %mul3A_146, %add3A_147 : i32
      %get3A_149 = arith.index_cast %add3A_148 : i32 to index
      %get3A_150 = arith.constant 0 : index
      %get3A_151 = tpu.vector_load %arg9[%get3A_149, %get3A_150] {strides = array<i32>} : memref<2560x16xf32, #tpu.memory_space<vmem>>, vector<1x16xf32>,
      %get3A_152 = vector.shape_cast %get3A_151 : vector<1x16xf32> to vector<16xf32>
      %add3A_153 = arith.addf %get3A_152, %get3A_82 : vector<16xf32>
      %max3A_154 = arith.constant 0.000000e+00 : f32
      %max3A_155 = vector.broadcast %max3A_154 : f32 to vector<16xf32>
      %max3A_156 = arith.maximumf %add3A_153, %max3A_155 : vector<16xf32>
      %swap3A_157 = arith.index_cast %add3A_148 : i32 to index
      %swap3A_158 = arith.constant 0 : index
      %swap3A_159 = tpu.vector_load %arg9[%swap3A_157, %swap3A_158] {strides = array<i32>} : memref<2560x16xf32, #tpu.memory_space<vmem>>, vector<1x16xf32>,
      %swap3A_160 = vector.shape_cast %swap3A_159 : vector<1x16xf32> to vector<16xf32>
      %swap3A_161 = vector.shape_cast %max3A_156 : vector<16xf32> to vector<1x16xf32>
      tpu.vector_store %arg9[%swap3A_157, %swap3A_158], %swap3A_161 {strides = array<i32>} : memref<2560x16xf32, #tpu.memory_space<vmem>>, vector<1x16xf32>,
      %mul3A_162 = arith.constant 4 : i32
      %mul3A_163 = arith.muli %scan3A_129, %mul3A_162 : i32
      %add3A_164 = arith.constant 2 : i32
      %add3A_165 = arith.addi %mul3A_163, %add3A_164 : i32
      %get3A_166 = arith.index_cast %add3A_165 : i32 to index
      %get3A_167 = arith.constant 0 : index
      %get3A_168 = tpu.vector_load %arg9[%get3A_166, %get3A_167] {strides = array<i32>} : memref<2560x16xf32, #tpu.memory_space<vmem>>, vector<1x16xf32>,
      %get3A_169 = vector.shape_cast %get3A_168 : vector<1x16xf32> to vector<16xf32>
      %add3A_170 = arith.addf %get3A_169, %get3A_82 : vector<16xf32>
      %max3A_171 = arith.constant 0.000000e+00 : f32
      %max3A_172 = vector.broadcast %max3A_171 : f32 to vector<16xf32>
      %max3A_173 = arith.maximumf %add3A_170, %max3A_172 : vector<16xf32>
      %swap3A_174 = arith.index_cast %add3A_165 : i32 to index
      %swap3A_175 = arith.constant 0 : index
      %swap3A_176 = tpu.vector_load %arg9[%swap3A_174, %swap3A_175] {strides = array<i32>} : memref<2560x16xf32, #tpu.memory_space<vmem>>, vector<1x16xf32>,
      %swap3A_177 = vector.shape_cast %swap3A_176 : vector<1x16xf32> to vector<16xf32>
      %swap3A_178 = vector.shape_cast %max3A_173 : vector<16xf32> to vector<1x16xf32>
      tpu.vector_store %arg9[%swap3A_174, %swap3A_175], %swap3A_178 {strides = array<i32>} : memref<2560x16xf32, #tpu.memory_space<vmem>>, vector<1x16xf32>,
      %mul3A_179 = arith.constant 4 : i32
      %mul3A_180 = arith.muli %scan3A_129, %mul3A_179 : i32
      %add3A_181 = arith.constant 3 : i32
      %add3A_182 = arith.addi %mul3A_180, %add3A_181 : i32
      %get3A_183 = arith.index_cast %add3A_182 : i32 to index
      %get3A_184 = arith.constant 0 : index
      %get3A_185 = tpu.vector_load %arg9[%get3A_183, %get3A_184] {strides = array<i32>} : memref<2560x16xf32, #tpu.memory_space<vmem>>, vector<1x16xf32>,
      %get3A_186 = vector.shape_cast %get3A_185 : vector<1x16xf32> to vector<16xf32>
      %add3A_187 = arith.addf %get3A_186, %get3A_82 : vector<16xf32>
      %max3A_188 = arith.constant 0.000000e+00 : f32
      %max3A_189 = vector.broadcast %max3A_188 : f32 to vector<16xf32>
      %max3A_190 = arith.maximumf %add3A_187, %max3A_189 : vector<16xf32>
      %swap3A_191 = arith.index_cast %add3A_182 : i32 to index
      %swap3A_192 = arith.constant 0 : index
      %swap3A_193 = tpu.vector_load %arg9[%swap3A_191, %swap3A_192] {strides = array<i32>} : memref<2560x16xf32, #tpu.memory_space<vmem>>, vector<1x16xf32>,
      %swap3A_194 = vector.shape_cast %swap3A_193 : vector<1x16xf32> to vector<16xf32>
      %swap3A_195 = vector.shape_cast %max3A_190 : vector<16xf32> to vector<1x16xf32>
      tpu.vector_store %arg9[%swap3A_191, %swap3A_192], %swap3A_195 {strides = array<i32>} : memref<2560x16xf32, #tpu.memory_space<vmem>>, vector<1x16xf32>,
    }
    %scan3A_88 = arith.constant 160 : i32
    "tpu.region"() ({
      %run_scoped3A_129 = tpu.sem_alloc : memref<!tpu.dma_semaphore, #tpu.memory_space<semaphore_mem>>
      %dma_start3A_130 = arith.constant 0 : i32
      %dma_start3A_131 = arith.constant 0 : i32
      %dma_start3A_132 = tpu.memref_slice %arg9[%dma_start3A_130, %dma_start3A_131] : memref<2560x16xf32, #tpu.memory_space<vmem>> -> memref<640x16xf32, #tpu.memory_space<vmem>>
      %dma_start3A_133 = arith.constant 0 : i32
      %dma_start3A_134 = tpu.memref_slice %arg13[%mul3A_2, %dma_start3A_133] : memref<10240x16xf32, #tpu.memory_space<vmem_shared>> -> memref<640x16xf32, #tpu.memory_space<vmem_shared>>
      %dma_start3A_135 = arith.constant 0 : i32
      %dma_start3A_136 = tpu.memref_slice %arg13[%mul3A_2, %dma_start3A_135] : memref<10240x16xf32, #tpu.memory_space<vmem_shared>> -> memref<640x16xf32, #tpu.memory_space<vmem_shared>>
      %dma_start3A_137 = arith.constant 0 : i32
      %dma_start3A_138 = arith.constant 0 : i32
      %dma_start3A_139 = tpu.memref_slice %arg9[%dma_start3A_137, %dma_start3A_138] : memref<2560x16xf32, #tpu.memory_space<vmem>> -> memref<640x16xf32, #tpu.memory_space<vmem>>
      tpu.enqueue_dma source(%dma_start3A_139 : memref<640x16xf32, #tpu.memory_space<vmem>>) target(%dma_start3A_136 : memref<640x16xf32, #tpu.memory_space<vmem_shared>>) target_semaphore(%run_scoped3A_129 : memref<!tpu.dma_semaphore, #tpu.memory_space<semaphore_mem>>)
      %dma_wait3A_140 = arith.constant 0 : i32
      %dma_wait3A_141 = arith.constant 0 : i32
      %dma_wait3A_142 = tpu.memref_slice %arg9[%dma_wait3A_140, %dma_wait3A_141] : memref<2560x16xf32, #tpu.memory_space<vmem>> -> memref<640x16xf32, #tpu.memory_space<vmem>>
      %dma_wait3A_143 = arith.constant 0 : i32
      %dma_wait3A_144 = tpu.memref_slice %arg13[%mul3A_2, %dma_wait3A_143] : memref<10240x16xf32, #tpu.memory_space<vmem_shared>> -> memref<640x16xf32, #tpu.memory_space<vmem_shared>>
      %dma_wait3A_145 = arith.constant 0 : i32
      %dma_wait3A_146 = tpu.memref_slice %arg13[%mul3A_2, %dma_wait3A_145] : memref<10240x16xf32, #tpu.memory_space<vmem_shared>> -> memref<640x16xf32, #tpu.memory_space<vmem_shared>>
      %dma_wait3A_147 = arith.constant 0 : i32
      %dma_wait3A_148 = arith.constant 0 : i32
      %dma_wait3A_149 = tpu.memref_slice %arg9[%dma_wait3A_147, %dma_wait3A_148] : memref<2560x16xf32, #tpu.memory_space<vmem>> -> memref<640x16xf32, #tpu.memory_space<vmem>>
      tpu.wait_dma2 semaphore(%run_scoped3A_129 : memref<!tpu.dma_semaphore, #tpu.memory_space<semaphore_mem>>) src(%dma_wait3A_149 : memref<640x16xf32, #tpu.memory_space<vmem>>) dst(%dma_wait3A_146 : memref<640x16xf32, #tpu.memory_space<vmem_shared>>)
      tpu.yield
    }) : () -> ()
    %barrier3A_89 = arith.constant 0 : index
    tpu.barrier barrier_id(%barrier3A_89)
    %dma_start3A_90 = arith.constant 4 : i32
    %dma_start3A_91 = arith.constant 0 : i32
    %dma_start3A_92 = tpu.memref_slice %arg7[%dma_start3A_90, %dma_start3A_91] : memref<6x2560xi32, #tpu.memory_space<vmem>> -> memref<1x2560xi32, #tpu.memory_space<vmem>>
    %dma_start3A_93 = tpu.memref_squeeze %dma_start3A_92 : memref<1x2560xi32, #tpu.memory_space<vmem>> -> memref<2560xi32, #tpu.memory_space<vmem>>
    %dma_start3A_94 = arith.constant 0 : i32
    %dma_start3A_95 = arith.constant 0 : i32
    %dma_start3A_96 = tpu.memref_slice %arg13[%dma_start3A_94, %dma_start3A_95] : memref<10240x16xf32, #tpu.memory_space<vmem_shared>> -> memref<10240x16xf32, #tpu.memory_space<vmem_shared>>
    tpu.enqueue_indirect_dma source(%dma_start3A_96 : memref<10240x16xf32, #tpu.memory_space<vmem_shared>>) target(%arg9 : memref<2560x16xf32, #tpu.memory_space<vmem>>) offsets(%dma_start3A_93 : memref<2560xi32, #tpu.memory_space<vmem>>) semaphore(%arg14 : memref<!tpu.dma_semaphore, #tpu.memory_space<semaphore_mem>>)
    %dma_start3A_97 = arith.constant 5 : i32
    %dma_start3A_98 = arith.constant 0 : i32
    %dma_start3A_99 = tpu.memref_slice %arg7[%dma_start3A_97, %dma_start3A_98] : memref<6x2560xi32, #tpu.memory_space<vmem>> -> memref<1x2560xi32, #tpu.memory_space<vmem>>
    %dma_start3A_100 = tpu.memref_squeeze %dma_start3A_99 : memref<1x2560xi32, #tpu.memory_space<vmem>> -> memref<2560xi32, #tpu.memory_space<vmem>>
    %dma_start3A_101 = arith.constant 0 : i32
    %dma_start3A_102 = arith.constant 0 : i32
    %dma_start3A_103 = tpu.memref_slice %arg13[%dma_start3A_101, %dma_start3A_102] : memref<10240x16xf32, #tpu.memory_space<vmem_shared>> -> memref<10240x16xf32, #tpu.memory_space<vmem_shared>>
    tpu.enqueue_indirect_dma source(%dma_start3A_103 : memref<10240x16xf32, #tpu.memory_space<vmem_shared>>) target(%arg10 : memref<2560x16xf32, #tpu.memory_space<vmem>>) offsets(%dma_start3A_100 : memref<2560xi32, #tpu.memory_space<vmem>>) semaphore(%arg15 : memref<!tpu.dma_semaphore, #tpu.memory_space<semaphore_mem>>)
    %dma_wait3A_104 = arith.constant 4 : i32
    %dma_wait3A_105 = arith.constant 0 : i32
    %dma_wait3A_106 = tpu.memref_slice %arg7[%dma_wait3A_104, %dma_wait3A_105] : memref<6x2560xi32, #tpu.memory_space<vmem>> -> memref<1x2560xi32, #tpu.memory_space<vmem>>
    %dma_wait3A_107 = tpu.memref_squeeze %dma_wait3A_106 : memref<1x2560xi32, #tpu.memory_space<vmem>> -> memref<2560xi32, #tpu.memory_space<vmem>>
    %dma_wait3A_108 = arith.constant 0 : i32
    %dma_wait3A_109 = arith.constant 0 : i32
    %dma_wait3A_110 = tpu.memref_slice %arg13[%dma_wait3A_108, %dma_wait3A_109] : memref<10240x16xf32, #tpu.memory_space<vmem_shared>> -> memref<10240x16xf32, #tpu.memory_space<vmem_shared>>
    tpu.wait_indirect_dma semaphore(%arg14 : memref<!tpu.dma_semaphore, #tpu.memory_space<semaphore_mem>>) src(%dma_wait3A_110 : memref<10240x16xf32, #tpu.memory_space<vmem_shared>>) dst(%arg9 : memref<2560x16xf32, #tpu.memory_space<vmem>>)
    %dma_wait3A_111 = arith.constant 5 : i32
    %dma_wait3A_112 = arith.constant 0 : i32
    %dma_wait3A_113 = tpu.memref_slice %arg7[%dma_wait3A_111, %dma_wait3A_112] : memref<6x2560xi32, #tpu.memory_space<vmem>> -> memref<1x2560xi32, #tpu.memory_space<vmem>>
    %dma_wait3A_114 = tpu.memref_squeeze %dma_wait3A_113 : memref<1x2560xi32, #tpu.memory_space<vmem>> -> memref<2560xi32, #tpu.memory_space<vmem>>
    %dma_wait3A_115 = arith.constant 0 : i32
    %dma_wait3A_116 = arith.constant 0 : i32
    %dma_wait3A_117 = tpu.memref_slice %arg13[%dma_wait3A_115, %dma_wait3A_116] : memref<10240x16xf32, #tpu.memory_space<vmem_shared>> -> memref<10240x16xf32, #tpu.memory_space<vmem_shared>>
    tpu.wait_indirect_dma semaphore(%arg15 : memref<!tpu.dma_semaphore, #tpu.memory_space<semaphore_mem>>) src(%dma_wait3A_117 : memref<10240x16xf32, #tpu.memory_space<vmem_shared>>) dst(%arg10 : memref<2560x16xf32, #tpu.memory_space<vmem>>)
    %barrier3A_118 = arith.constant 0 : index
    tpu.barrier barrier_id(%barrier3A_118)
    %mul3A_119 = arith.constant 640 : i32
    %mul3A_120 = arith.muli %arg1, %mul3A_119 : i32
    "tpu.region"() ({
      %run_scoped3A_129 = tpu.sem_alloc : memref<!tpu.dma_semaphore, #tpu.memory_space<semaphore_mem>>
      %dma_start3A_130 = arith.constant 0 : i32
      %dma_start3A_131 = tpu.memref_slice %arg13[%mul3A_120, %dma_start3A_130] : memref<10240x16xf32, #tpu.memory_space<vmem_shared>> -> memref<320x16xf32, #tpu.memory_space<vmem_shared>>
      %dma_start3A_132 = arith.constant 0 : i32
      %dma_start3A_133 = tpu.memref_slice %arg13[%mul3A_120, %dma_start3A_132] : memref<10240x16xf32, #tpu.memory_space<vmem_shared>> -> memref<320x16xf32, #tpu.memory_space<vmem_shared>>
      tpu.enqueue_dma source(%arg11 : memref<320x16xf32, #tpu.memory_space<vmem>>) target(%dma_start3A_133 : memref<320x16xf32, #tpu.memory_space<vmem_shared>>) target_semaphore(%run_scoped3A_129 : memref<!tpu.dma_semaphore, #tpu.memory_space<semaphore_mem>>)
      %dma_wait3A_134 = arith.constant 0 : i32
      %dma_wait3A_135 = tpu.memref_slice %arg13[%mul3A_120, %dma_wait3A_134] : memref<10240x16xf32, #tpu.memory_space<vmem_shared>> -> memref<320x16xf32, #tpu.memory_space<vmem_shared>>
      %dma_wait3A_136 = arith.constant 0 : i32
      %dma_wait3A_137 = tpu.memref_slice %arg13[%mul3A_120, %dma_wait3A_136] : memref<10240x16xf32, #tpu.memory_space<vmem_shared>> -> memref<320x16xf32, #tpu.memory_space<vmem_shared>>
      tpu.wait_dma2 semaphore(%run_scoped3A_129 : memref<!tpu.dma_semaphore, #tpu.memory_space<semaphore_mem>>) src(%arg11 : memref<320x16xf32, #tpu.memory_space<vmem>>) dst(%dma_wait3A_137 : memref<320x16xf32, #tpu.memory_space<vmem_shared>>)
      tpu.yield
    }) : () -> ()
    %mul3A_121 = arith.constant 640 : i32
    %mul3A_122 = arith.muli %arg1, %mul3A_121 : i32
    %add3A_123 = arith.constant 320 : i32
    %add3A_124 = arith.addi %mul3A_122, %add3A_123 : i32
    "tpu.region"() ({
      %run_scoped3A_129 = tpu.sem_alloc : memref<!tpu.dma_semaphore, #tpu.memory_space<semaphore_mem>>
      %dma_start3A_130 = arith.constant 0 : i32
      %dma_start3A_131 = tpu.memref_slice %arg13[%add3A_124, %dma_start3A_130] : memref<10240x16xf32, #tpu.memory_space<vmem_shared>> -> memref<320x16xf32, #tpu.memory_space<vmem_shared>>
      %dma_start3A_132 = arith.constant 0 : i32
      %dma_start3A_133 = tpu.memref_slice %arg13[%add3A_124, %dma_start3A_132] : memref<10240x16xf32, #tpu.memory_space<vmem_shared>> -> memref<320x16xf32, #tpu.memory_space<vmem_shared>>
      tpu.enqueue_dma source(%arg11 : memref<320x16xf32, #tpu.memory_space<vmem>>) target(%dma_start3A_133 : memref<320x16xf32, #tpu.memory_space<vmem_shared>>) target_semaphore(%run_scoped3A_129 : memref<!tpu.dma_semaphore, #tpu.memory_space<semaphore_mem>>)
      %dma_wait3A_134 = arith.constant 0 : i32
      %dma_wait3A_135 = tpu.memref_slice %arg13[%add3A_124, %dma_wait3A_134] : memref<10240x16xf32, #tpu.memory_space<vmem_shared>> -> memref<320x16xf32, #tpu.memory_space<vmem_shared>>
      %dma_wait3A_136 = arith.constant 0 : i32
      %dma_wait3A_137 = tpu.memref_slice %arg13[%add3A_124, %dma_wait3A_136] : memref<10240x16xf32, #tpu.memory_space<vmem_shared>> -> memref<320x16xf32, #tpu.memory_space<vmem_shared>>
      tpu.wait_dma2 semaphore(%run_scoped3A_129 : memref<!tpu.dma_semaphore, #tpu.memory_space<semaphore_mem>>) src(%arg11 : memref<320x16xf32, #tpu.memory_space<vmem>>) dst(%dma_wait3A_137 : memref<320x16xf32, #tpu.memory_space<vmem_shared>>)
      tpu.yield
    }) : () -> ()
    %barrier3A_125 = arith.constant 0 : index
    tpu.barrier barrier_id(%barrier3A_125)
    %run_scoped3A_126 = arith.constant 4 : i32
    "tpu.region"() ({
      %run_scoped3A_129 = tpu.sem_alloc : memref<!tpu.dma_semaphore, #tpu.memory_space<semaphore_mem>>
      %dma_start3A_130 = arith.constant 0 : i32
      %dma_start3A_131 = tpu.memref_slice %arg8[%run_scoped3A_126, %dma_start3A_130] : memref<6x2560xi32, #tpu.memory_space<vmem>> -> memref<1x2560xi32, #tpu.memory_space<vmem>>
      %dma_start3A_132 = tpu.memref_squeeze %dma_start3A_131 : memref<1x2560xi32, #tpu.memory_space<vmem>> -> memref<2560xi32, #tpu.memory_space<vmem>>
      %dma_start3A_133 = arith.constant 0 : i32
      %dma_start3A_134 = arith.constant 0 : i32
      %dma_start3A_135 = tpu.memref_slice %arg13[%dma_start3A_133, %dma_start3A_134] : memref<10240x16xf32, #tpu.memory_space<vmem_shared>> -> memref<10240x16xf32, #tpu.memory_space<vmem_shared>>
      tpu.enqueue_indirect_dma source(%arg9 : memref<2560x16xf32, #tpu.memory_space<vmem>>) target(%dma_start3A_135 : memref<10240x16xf32, #tpu.memory_space<vmem_shared>>) offsets(%dma_start3A_132 : memref<2560xi32, #tpu.memory_space<vmem>>) semaphore(%run_scoped3A_129 : memref<!tpu.dma_semaphore, #tpu.memory_space<semaphore_mem>>) {add = true}
      %dma_wait3A_136 = arith.constant 0 : i32
      %dma_wait3A_137 = tpu.memref_slice %arg8[%run_scoped3A_126, %dma_wait3A_136] : memref<6x2560xi32, #tpu.memory_space<vmem>> -> memref<1x2560xi32, #tpu.memory_space<vmem>>
      %dma_wait3A_138 = tpu.memref_squeeze %dma_wait3A_137 : memref<1x2560xi32, #tpu.memory_space<vmem>> -> memref<2560xi32, #tpu.memory_space<vmem>>
      %dma_wait3A_139 = arith.constant 0 : i32
      %dma_wait3A_140 = arith.constant 0 : i32
      %dma_wait3A_141 = tpu.memref_slice %arg13[%dma_wait3A_139, %dma_wait3A_140] : memref<10240x16xf32, #tpu.memory_space<vmem_shared>> -> memref<10240x16xf32, #tpu.memory_space<vmem_shared>>
      tpu.wait_indirect_dma semaphore(%run_scoped3A_129 : memref<!tpu.dma_semaphore, #tpu.memory_space<semaphore_mem>>) src(%arg9 : memref<2560x16xf32, #tpu.memory_space<vmem>>) dst(%dma_wait3A_141 : memref<10240x16xf32, #tpu.memory_space<vmem_shared>>)
      tpu.yield
    }) : () -> ()
    %run_scoped3A_127 = arith.constant 5 : i32
    "tpu.region"() ({
      %run_scoped3A_129 = tpu.sem_alloc : memref<!tpu.dma_semaphore, #tpu.memory_space<semaphore_mem>>
      %dma_start3A_130 = arith.constant 0 : i32
      %dma_start3A_131 = tpu.memref_slice %arg8[%run_scoped3A_127, %dma_start3A_130] : memref<6x2560xi32, #tpu.memory_space<vmem>> -> memref<1x2560xi32, #tpu.memory_space<vmem>>
      %dma_start3A_132 = tpu.memref_squeeze %dma_start3A_131 : memref<1x2560xi32, #tpu.memory_space<vmem>> -> memref<2560xi32, #tpu.memory_space<vmem>>
      %dma_start3A_133 = arith.constant 0 : i32
      %dma_start3A_134 = arith.constant 0 : i32
      %dma_start3A_135 = tpu.memref_slice %arg13[%dma_start3A_133, %dma_start3A_134] : memref<10240x16xf32, #tpu.memory_space<vmem_shared>> -> memref<10240x16xf32, #tpu.memory_space<vmem_shared>>
      tpu.enqueue_indirect_dma source(%arg10 : memref<2560x16xf32, #tpu.memory_space<vmem>>) target(%dma_start3A_135 : memref<10240x16xf32, #tpu.memory_space<vmem_shared>>) offsets(%dma_start3A_132 : memref<2560xi32, #tpu.memory_space<vmem>>) semaphore(%run_scoped3A_129 : memref<!tpu.dma_semaphore, #tpu.memory_space<semaphore_mem>>) {add = true}
      %dma_wait3A_136 = arith.constant 0 : i32
      %dma_wait3A_137 = tpu.memref_slice %arg8[%run_scoped3A_127, %dma_wait3A_136] : memref<6x2560xi32, #tpu.memory_space<vmem>> -> memref<1x2560xi32, #tpu.memory_space<vmem>>
      %dma_wait3A_138 = tpu.memref_squeeze %dma_wait3A_137 : memref<1x2560xi32, #tpu.memory_space<vmem>> -> memref<2560xi32, #tpu.memory_space<vmem>>
      %dma_wait3A_139 = arith.constant 0 : i32
      %dma_wait3A_140 = arith.constant 0 : i32
      %dma_wait3A_141 = tpu.memref_slice %arg13[%dma_wait3A_139, %dma_wait3A_140] : memref<10240x16xf32, #tpu.memory_space<vmem_shared>> -> memref<10240x16xf32, #tpu.memory_space<vmem_shared>>
      tpu.wait_indirect_dma semaphore(%run_scoped3A_129 : memref<!tpu.dma_semaphore, #tpu.memory_space<semaphore_mem>>) src(%arg10 : memref<2560x16xf32, #tpu.memory_space<vmem>>) dst(%dma_wait3A_141 : memref<10240x16xf32, #tpu.memory_space<vmem_shared>>)
      tpu.yield
    }) : () -> ()
    %barrier3A_128 = arith.constant 0 : index
    tpu.barrier barrier_id(%barrier3A_128)
    "tpu.region"() ({
      %run_scoped3A_129 = tpu.sem_alloc : memref<!tpu.dma_semaphore, #tpu.memory_space<semaphore_mem>>
      %dma_start3A_130 = arith.constant 0 : i32
      %dma_start3A_131 = tpu.memref_slice %arg6[%arg0, %mul3A_2, %dma_start3A_130] : memref<2x10240x16xf32, #tpu.memory_space<hbm>> -> memref<1x640x16xf32, #tpu.memory_space<hbm>>
      %dma_start3A_132 = tpu.memref_squeeze %dma_start3A_131 : memref<1x640x16xf32, #tpu.memory_space<hbm>> -> memref<640x16xf32, #tpu.memory_space<hbm>>
      %dma_start3A_133 = arith.constant 0 : i32
      %dma_start3A_134 = tpu.memref_slice %arg13[%mul3A_2, %dma_start3A_133] : memref<10240x16xf32, #tpu.memory_space<vmem_shared>> -> memref<640x16xf32, #tpu.memory_space<vmem_shared>>
      tpu.enqueue_dma source(%dma_start3A_134 : memref<640x16xf32, #tpu.memory_space<vmem_shared>>) target(%dma_start3A_132 : memref<640x16xf32, #tpu.memory_space<hbm>>) target_semaphore(%run_scoped3A_129 : memref<!tpu.dma_semaphore, #tpu.memory_space<semaphore_mem>>)
      %dma_wait3A_135 = arith.constant 0 : i32
      %dma_wait3A_136 = tpu.memref_slice %arg6[%arg0, %mul3A_2, %dma_wait3A_135] : memref<2x10240x16xf32, #tpu.memory_space<hbm>> -> memref<1x640x16xf32, #tpu.memory_space<hbm>>
      %dma_wait3A_137 = tpu.memref_squeeze %dma_wait3A_136 : memref<1x640x16xf32, #tpu.memory_space<hbm>> -> memref<640x16xf32, #tpu.memory_space<hbm>>
      %dma_wait3A_138 = arith.constant 0 : i32
      %dma_wait3A_139 = tpu.memref_slice %arg13[%mul3A_2, %dma_wait3A_138] : memref<10240x16xf32, #tpu.memory_space<vmem_shared>> -> memref<640x16xf32, #tpu.memory_space<vmem_shared>>
      tpu.wait_dma2 semaphore(%run_scoped3A_129 : memref<!tpu.dma_semaphore, #tpu.memory_space<semaphore_mem>>) src(%dma_wait3A_139 : memref<640x16xf32, #tpu.memory_space<vmem_shared>>) dst(%dma_wait3A_137 : memref<640x16xf32, #tpu.memory_space<hbm>>)
      tpu.yield
    }) : () -> ()
    return
  }
}

module attributes {stable_mosaic.version = 14 : i64} {
  func.func @_mm_body(%arg0: i32, %arg1: memref<2000x1433xf32, #tpu.memory_space<vmem>>, %arg2: memref<1433x16xf32, #tpu.memory_space<vmem>>, %arg3: memref<2000x16xf32, #tpu.memory_space<vmem>>) attributes {dimension_semantics = [#tpu.dimension_semantics<arbitrary>], iteration_bounds = array<i64: 5>, scalar_prefetch = 0 : i64, scratch_operands = 0 : i64, tpu.core_type = #tpu.core_type<tc>, window_params = [{transform_indices = @transform_0, window_bounds = array<i64: 2000, 1433>}, {pipeline_mode = #tpu.pipeline_mode<synchronous>, transform_indices = @transform_1, window_bounds = array<i64: 1433, 16>}, {transform_indices = @transform_2, window_bounds = array<i64: 2000, 16>}]} {
    %get3A = arith.constant 0 : index
    %get3A_0 = arith.constant 0 : index
    %get3A_1 = vector.load %arg1[%get3A, %get3A_0] : memref<2000x1433xf32, #tpu.memory_space<vmem>>, vector<2000x1433xf32>
    %get3A_2 = arith.constant 0 : index
    %get3A_3 = arith.constant 0 : index
    %get3A_4 = vector.load %arg2[%get3A_2, %get3A_3] : memref<1433x16xf32, #tpu.memory_space<vmem>>, vector<1433x16xf32>
    %dot_general3A = arith.constant dense<0.000000e+00> : vector<2000x16xf32>
    %dot_general3A_5 = tpu.matmul %get3A_1, %get3A_4, %dot_general3A {dimension_numbers = #tpu.dot_dimension_numbers<[1], [0], [0], [1], [0, 0, 1, 1], [], []>, transpose_lhs_hint = false} : vector<2000x1433xf32>, vector<1433x16xf32>, vector<2000x16xf32> -> vector<2000x16xf32>
    %swap3A = arith.constant 0 : index
    %swap3A_6 = arith.constant 0 : index
    %swap3A_7 = vector.load %arg3[%swap3A, %swap3A_6] : memref<2000x16xf32, #tpu.memory_space<vmem>>, vector<2000x16xf32>
    tpu.vector_store %arg3[%swap3A, %swap3A_6], %dot_general3A_5 {strides = array<i32>} : memref<2000x16xf32, #tpu.memory_space<vmem>>, vector<2000x16xf32>,
    return
  }
  func.func @transform_0(%arg0: i32) -> (i32, i32) {
    %c0_i32 = arith.constant 0 : i32
    %c0_i32_0 = arith.constant 0 : i32
    return %arg0, %c0_i32 : i32, i32
  }
  func.func @transform_1(%arg0: i32) -> (i32, i32) {
    %c0_i32 = arith.constant 0 : i32
    %c0_i32_0 = arith.constant 0 : i32
    %c0_i32_1 = arith.constant 0 : i32
    return %c0_i32, %c0_i32_0 : i32, i32
  }
  func.func @transform_2(%arg0: i32) -> (i32, i32) {
    %c0_i32 = arith.constant 0 : i32
    %c0_i32_0 = arith.constant 0 : i32
    return %arg0, %c0_i32 : i32, i32
  }
}

module attributes {stable_mosaic.version = 14 : i64} {
  func.func @_out_body(%arg0: i32, %arg1: memref<2x10000x16xf32, #tpu.memory_space<vmem>>, %arg2: memref<16x7xf32, #tpu.memory_space<vmem>>, %arg3: memref<1x7xf32, #tpu.memory_space<vmem>>, %arg4: memref<10000x7xf32, #tpu.memory_space<vmem>>) attributes {dimension_semantics = [#tpu.dimension_semantics<arbitrary>], iteration_bounds = array<i64: 1>, scalar_prefetch = 0 : i64, scratch_operands = 0 : i64, tpu.core_type = #tpu.core_type<tc>, window_params = [{transform_indices = @transform_0, window_bounds = array<i64: 2, 10000, 16>}, {pipeline_mode = #tpu.pipeline_mode<synchronous>, transform_indices = @transform_1, window_bounds = array<i64: 16, 7>}, {pipeline_mode = #tpu.pipeline_mode<synchronous>, transform_indices = @transform_2, window_bounds = array<i64: 1, 7>}, {pipeline_mode = #tpu.pipeline_mode<synchronous>, transform_indices = @transform_3, window_bounds = array<i64: 10000, 7>}]} {
    %get3A = arith.constant 0 : index
    %get3A_0 = arith.constant 0 : index
    %get3A_1 = arith.constant 0 : index
    %get3A_2 = vector.load %arg1[%get3A, %get3A_0, %get3A_1] : memref<2x10000x16xf32, #tpu.memory_space<vmem>>, vector<1x10000x16xf32>
    %get3A_3 = vector.shape_cast %get3A_2 : vector<1x10000x16xf32> to vector<10000x16xf32>
    %get3A_4 = arith.constant 1 : index
    %get3A_5 = arith.constant 0 : index
    %get3A_6 = arith.constant 0 : index
    %get3A_7 = vector.load %arg1[%get3A_4, %get3A_5, %get3A_6] : memref<2x10000x16xf32, #tpu.memory_space<vmem>>, vector<1x10000x16xf32>
    %get3A_8 = vector.shape_cast %get3A_7 : vector<1x10000x16xf32> to vector<10000x16xf32>
    %add3A = arith.addf %get3A_3, %get3A_8 : vector<10000x16xf32>
    %get3A_9 = arith.constant 0 : index
    %get3A_10 = arith.constant 0 : index
    %get3A_11 = vector.load %arg2[%get3A_9, %get3A_10] : memref<16x7xf32, #tpu.memory_space<vmem>>, vector<16x7xf32>
    %dot_general3A = arith.constant dense<0.000000e+00> : vector<10000x7xf32>
    %dot_general3A_12 = tpu.matmul %add3A, %get3A_11, %dot_general3A {dimension_numbers = #tpu.dot_dimension_numbers<[1], [0], [0], [1], [0, 0, 1, 1], [], []>, transpose_lhs_hint = false} : vector<10000x16xf32>, vector<16x7xf32>, vector<10000x7xf32> -> vector<10000x7xf32>
    %get3A_13 = arith.constant 0 : index
    %get3A_14 = arith.constant 0 : index
    %get3A_15 = vector.load %arg3[%get3A_13, %get3A_14] : memref<1x7xf32, #tpu.memory_space<vmem>>, vector<1x7xf32>
    %add3A_16 = vector.broadcast %get3A_15 : vector<1x7xf32> to vector<10000x7xf32>
    %add3A_17 = arith.addf %dot_general3A_12, %add3A_16 : vector<10000x7xf32>
    %reduce_max3A = arith.constant dense<0xFF800000> : vector<10000xf32>
    %reduce_max3A_18 = vector.multi_reduction <maximumf>, %add3A_17, %reduce_max3A [1] : vector<10000x7xf32> to vector<10000xf32>
    %broadcast_in_dim3A = vector.shape_cast %reduce_max3A_18 : vector<10000xf32> to vector<10000x1xf32>
    %sub3A = vector.broadcast %broadcast_in_dim3A : vector<10000x1xf32> to vector<10000x7xf32>
    %sub3A_19 = arith.subf %add3A_17, %sub3A : vector<10000x7xf32>
    %exp3A = math.exp %sub3A_19 : vector<10000x7xf32>
    %reduce_sum3A = arith.constant dense<0.000000e+00> : vector<10000xf32>
    %reduce_sum3A_20 = vector.multi_reduction <add>, %exp3A, %reduce_sum3A [1] : vector<10000x7xf32> to vector<10000xf32>
    %broadcast_in_dim3A_21 = vector.shape_cast %reduce_sum3A_20 : vector<10000xf32> to vector<10000x1xf32>
    %log3A = math.log %broadcast_in_dim3A_21 : vector<10000x1xf32>
    %sub3A_22 = vector.broadcast %log3A : vector<10000x1xf32> to vector<10000x7xf32>
    %sub3A_23 = arith.subf %sub3A_19, %sub3A_22 : vector<10000x7xf32>
    %swap3A = arith.constant 0 : index
    %swap3A_24 = arith.constant 0 : index
    %swap3A_25 = vector.load %arg4[%swap3A, %swap3A_24] : memref<10000x7xf32, #tpu.memory_space<vmem>>, vector<10000x7xf32>
    tpu.vector_store %arg4[%swap3A, %swap3A_24], %sub3A_23 {strides = array<i32>} : memref<10000x7xf32, #tpu.memory_space<vmem>>, vector<10000x7xf32>,
    return
  }
  func.func @transform_0(%arg0: i32) -> (i32, i32, i32) {
    %c0_i32 = arith.constant 0 : i32
    %c0_i32_0 = arith.constant 0 : i32
    %c0_i32_1 = arith.constant 0 : i32
    %c0_i32_2 = arith.constant 0 : i32
    return %c0_i32, %c0_i32_0, %c0_i32_1 : i32, i32, i32
  }
  func.func @transform_1(%arg0: i32) -> (i32, i32) {
    %c0_i32 = arith.constant 0 : i32
    %c0_i32_0 = arith.constant 0 : i32
    %c0_i32_1 = arith.constant 0 : i32
    return %c0_i32, %c0_i32_0 : i32, i32
  }
  func.func @transform_2(%arg0: i32) -> (i32, i32) {
    %c0_i32 = arith.constant 0 : i32
    %c0_i32_0 = arith.constant 0 : i32
    %c0_i32_1 = arith.constant 0 : i32
    return %c0_i32, %c0_i32_0 : i32, i32
  }
  func.func @transform_3(%arg0: i32) -> (i32, i32) {
    %c0_i32 = arith.constant 0 : i32
    %c0_i32_0 = arith.constant 0 : i32
    %c0_i32_1 = arith.constant 0 : i32
    return %c0_i32, %c0_i32_0 : i32, i32
  }
}

</mosaic_0001>

<sc_bundles>
// kernel: kernel.5.cloned.1.call-start
scs
__scs_entry_jumppad:
0x0: {  	(pc) =	sbr.rel $0x88, $3  }
0x1: {  	(tag) =	ssettag $0x0;
	lr =	simm.s32 $0x1  }
0x2: {  	[smem:$0x3F9B] =	sst lr;
	_ =	strace $0xD0000000  }
0x3: {  	_ = 	snop  }
0x4: {  	_ = 	snop  }
0x5: {  	_ = 	snop  }
0x6: {  	_ = 	snop  }
0x7: {  	_ = 	snop  }
__scs_overlays_trampoline_lowered:
0x8: {  	[smem:$0x3FAA] =	sst s0  }
0x9: {  	[smem:$0x3FAB] =	sst s1  }
0xa: {  	[smem:$0x3FAC] =	sst s2  }
0xb: {  	[smem:$0x3FAD] =	sst s3  }
0xc: {  	[smem:$0x3FAE] =	sst s4  }
0xd: {  	[smem:$0x3FAF] =	sst s5  }
0xe: {  	[smem:$0x3FB0] =	sst s6  }
0xf: {  	[smem:$0x3FB1] =	sst s7  }
0x10: {  	[smem:$0x3FB2] =	sst s8  }
0x11: {  	[smem:$0x3FB3] =	sst s9;
	s0 =	simm.s32 @!p0 $0x0  }
0x12: {  	s1 =	sld [smem:$0x3F99];
	s0 =	simm.s32 @p0 $0x1  }
0x13: {  	[smem:$0x3FB4] =	sst s0;
	s0 =	simm.s32 @!p1 $0x0  }
0x14: {  	s2 =	sld [smem:$0x3F98];
	s0 =	simm.s32 @p1 $0x1  }
0x15: {  	[smem:$0x3FB5] =	sst s0;
	s0 =	simm.s32 @!p2 $0x0  }
0x16: {  	s3 =	sld [smem:$0x3FDB];
	s0 =	simm.s32 @p2 $0x1  }
0x17: {  	s4 =	simm.s32 $0x1BF5;
	[smem:$0x3FB7] =	sst s0  }
0x18: {  	s0 =	sld [smem:$0x3F9A];
	_ =	swait.ge [sflag:s4], $0x0  }
0x19: {  	s7 =	sld [smem:$0x3F9B]  }
0x1a: {  	s8 =	sadd.s32 $0xFFFFE003, lr  }
0x1b: {  	s9 =	sadd.s32 $0xFFFFFEF7, lr;
	s5 =	simm.s32 $0xFFFFFFFF;
	p2 =	slt.u32 s8, $0xFFFFF086  }
0x1c: {  	p1 =	slt.u32 s9, $0xF7A;
	s5 =	simm.s32 @!p2 $0x0  }
0x1d: {  	s5 =	simm.s32 @p1 $0x1;
	p0 =	seq.s32 s7, s2  }
0x1e: {  	s7 =	smul.u32 @!p0 $0xF7A, s2;
	p2 =	seq.s32 @!p0 s5, $0x0  }
0x1f: {  	s9 =	smul.u32 $0xF7A, s1;
	s8 =	simm.s32 @!p0 $0x1BF5;
	p2 =	por !p2, p0  }
0x20: {  	[sflag:s8] =	ssyncset.s32 @!p0 $0xFFFFF086;
	s6 =	sadd.s32 @!p0 s3, s7;
	s7 =	simm.s32 @!p0 $0x108  }
0x21: {  	s3 =	sadd.s32 s3, s9;
	s6 =	sadd.s32 @!p0 $0x88, s6;
	s7 =	simm.s32 @p2 $0x1082  }
0x22: {  	[simem:s7], [sflag:s8] =	dma.local @!p0 [hbm:s6], $0xF7A  }
0x23: {  	s9 =	sor.u32 $0xD0000000, s2;
	s6 =	simm.s32 $0x108;
	_ =	swait.ge @!p0 [sflag:s8], $0x0  }
0x24: {  	s3 =	sadd.s32 $0x88, s3;
	s6 =	simm.s32 @!p1 $0x1082;
	[sflag:s4] =	ssyncset.s32 $0xFFFFF086  }
0x25: {  	[simem:s6], [sflag:s4] =	dma.local [hbm:s3], $0xF7A  }
0x26: {  	[smem:$0x3F9B] =	sst s1;
	(tag) =	ssettag s2;
	_ =	strace s9  }
0x27: {  	s1 =	sld [smem:$0x3FAB]  }
0x28: {  	s2 =	sld [smem:$0x3FAC]  }
0x29: {  	s4 =	sld [smem:$0x3FAE]  }
0x2a: {  	p0 =	seq.s32 s5, $0x0;
	s5 =	sld [smem:$0x3FAF]  }
0x2b: {  	s6 =	sld [smem:$0x3FB0]  }
0x2c: {  	s7 =	sld [smem:$0x3FB1]  }
0x2d: {  	s3 =	simm.s32 $0x108;
	s8 =	sld [smem:$0x3FB2]  }
0x2e: {  	s3 =	simm.s32 @!p0 $0x1082;
	s9 =	sld [smem:$0x3FB3]  }
0x2f: {  	lr =	sadd.s32 s0, s3;
	s0 =	sld [smem:$0x3FAA]  }
0x30: {  	s3 =	sld [smem:$0x3FAD]  }
0x31: {  	[smem:$0x3FB6] =	sst s10  }
0x32: {  	s10 =	sld [smem:$0x3FB4];
	_ =	sdelay $0x3  }
0x33: {  	p0 =	seq.s32 s10, $0x1;
	s10 =	sld [smem:$0x3FB6];
	_ =	sdelay $0x3  }
0x34: {  	[smem:$0x3FB6] =	sst s10  }
0x35: {  	s10 =	sld [smem:$0x3FB5];
	_ =	sdelay $0x3  }
0x36: {  	p1 =	seq.s32 s10, $0x1;
	s10 =	sld [smem:$0x3FB6];
	_ =	sdelay $0x3  }
0x37: {  	[smem:$0x3FB6] =	sst s10  }
0x38: {  	s10 =	sld [smem:$0x3FB7]  }
0x39: {  	_ = 	snop;
	(pc) =	sbr.ind lr, $3  }
0x3a: {  	_ = 	snop  }
0x3b: {  	_ = 	snop  }
0x3c: {  	p2 =	seq.s32 s10, $0x1;
	s10 =	sld [smem:$0x3FB6]  }
0x3d: {  	_ =	shalt  }
0x3e: {  	_ =	shalt  }
0x3f: {  	_ =	shalt  }
0x40: {  	_ =	shalt  }
0x41: {  	_ =	shalt  }
0x42: {  	_ =	shalt  }
0x43: {  	_ =	shalt  }
0x44: {  	_ =	shalt  }
0x45: {  	_ =	shalt  }
0x46: {  	_ =	shalt  }
0x47: {  	_ =	shalt  }
0x48: {  	_ =	shalt  }
0x49: {  	_ =	shalt  }
0x4a: {  	_ =	shalt  }
0x4b: {  	_ =	shalt  }
0x4c: {  	_ =	shalt  }
0x4d: {  	_ =	shalt  }
0x4e: {  	_ =	shalt  }
0x4f: {  	_ =	shalt  }
0x50: {  	_ =	shalt  }
0x51: {  	_ =	shalt  }
0x52: {  	_ =	shalt  }
0x53: {  	_ =	shalt  }
0x54: {  	_ =	shalt  }
0x55: {  	_ =	shalt  }
0x56: {  	_ =	shalt  }
0x57: {  	_ =	shalt  }
0x58: {  	_ =	shalt  }
0x59: {  	_ =	shalt  }
0x5a: {  	_ =	shalt  }
0x5b: {  	_ =	shalt  }
0x5c: {  	_ =	shalt  }
0x5d: {  	_ =	shalt  }
0x5e: {  	_ =	shalt  }
0x5f: {  	_ =	shalt  }
0x60: {  	_ =	shalt  }
0x61: {  	_ =	shalt  }
0x62: {  	_ =	shalt  }
0x63: {  	_ =	shalt  }
0x64: {  	_ =	shalt  }
0x65: {  	_ =	shalt  }
0x66: {  	_ =	shalt  }
0x67: {  	_ =	shalt  }
0x68: {  	_ =	shalt  }
0x69: {  	_ =	shalt  }
0x6a: {  	_ =	shalt  }
0x6b: {  	_ =	shalt  }
0x6c: {  	_ =	shalt  }
0x6d: {  	_ =	shalt  }
0x6e: {  	_ =	shalt  }
0x6f: {  	_ =	shalt  }
0x70: {  	_ =	shalt  }
0x71: {  	_ =	shalt  }
0x72: {  	_ =	shalt  }
0x73: {  	_ =	shalt  }
0x74: {  	_ =	shalt  }
0x75: {  	_ =	shalt  }
0x76: {  	_ =	shalt  }
0x77: {  	_ =	shalt  }
0x78: {  	_ =	shalt  }
0x79: {  	_ =	shalt  }
0x7a: {  	_ =	shalt  }
0x7b: {  	_ =	shalt  }
0x7c: {  	_ =	shalt  }
0x7d: {  	_ =	shalt  }
0x7e: {  	_ =	shalt  }
0x7f: {  	_ =	shalt  }
0x80: {  	_ =	shalt  }
0x81: {  	_ =	shalt  }
0x82: {  	_ =	shalt  }
0x83: {  	_ =	shalt  }
0x84: {  	_ =	shalt  }
0x85: {  	_ =	shalt  }
0x86: {  	_ =	shalt  }
0x87: {  	_ =	shalt  }
.Lfunc_end0:
.L_simem_size_0:
called_computation_lowered:
.L_overlay_start_0:
0x88: {  	s2 =	sld [smem:$0x3FD9]  }
0x89: {  	s3 =	sld [smem:$0x3FFE];
	_ =	sdelay $0x1  }
0x8a: {  	s1 =	srdreg.scid  }
0x8b: {  	s0 =	sand.u32 $0x1, s1  }
0x8c: {  	s17 =	sshll.u32 s0, $0xA;
	s2 =	sadd.s32 s3, s2  }
0x8d: {  	s2 =	sadd.s32 s2, s17  }
0x8e: {  	[smem:$0x3FC2] =	sst s2  }
0x8f: {  	_ = 	snop  }
0x90: {  	s2 =	sld [smem:$0x3FC6];
	(tm) =	ssettm $0x1  }
0x91: {  	s18 =	sld [smem:$0x3FFB];
	_ =	sdelay $0x3  }
0x92: {  	_ =	strace s18  }
0x93: {  	s3 =	sld [smem:$0x3FFC];
	_ =	sdelay $0x3  }
0x94: {  	_ =	strace s3  }
0x95: {  	s3 =	sld [smem:$0x3FFD];
	_ =	sdelay $0x3  }
0x96: {  	_ =	strace s3  }
0x97: {  	_ =	strace $0x8FFFFFFF  }
0x98: {  	s19 =	sld [smem:$0x3FDB];
	_ =	sdelay $0x1  }
0x99: {  	s4 =	simm.s32 $_scs_section_size  }
0x9a: {  	s5 =	simm.s32 $_size__tile_overlayer_lowered;
	s6 =	simm.s32 $_tile_overlayer_lowered  }
0x9b: {  	s22 =	simm.s32 $0x1BFF;
	s21 =	sshll.u32 s6, $0x1;
	s3 =	sadd.s32 s4, s19  }
0x9c: {  	s7 =	simm.s32 $0x0;
	s20 =	sshll.u32 s5, $0x1;
	s5 =	sadd.s32 s21, s3  }
0x9d: {  	[timem:s7], [sflag:s22] =	dma.local [hbm:s5], s20  }
0x9e: {  	_ =	swait.ge [sflag:s22], s20  }
0x9f: {  	s4 =	ssub.s32 $0x0, s20;
	[sflag:s22] =	ssyncset.done $0x0  }
0xa0: {  	[sflag:s22] =	ssyncadd.s32 s4;
	_ =	sdelay $0x1  }
0xa1: {  	s23 =	simm.s32 $0x1B8B  }
0xa2: {  	_ =	swait.ge [sflag:s23], $0x1  }
0xa3: {  	[sflag:s23] =	ssyncset.done $0x0  }
0xa4: {  	s25 =	simm.s32 $0x1B8E;
	s24 =	sld [smem:$0x3FFE];
	[sflag:s23] =	ssyncadd.s32 $0xFFFFFFFF  }
0xa5: {  	s26 =	simm.s32 $execute0_lowered;
	[smem:$0x3FD2] =	sst s25  }
0xa6: {  	s5 =	sshll.u32 s26, $0x1;
	_ =	strace $0x80000046;
	[dreg:$0x1] =	wrdreg $0xFFFFFFFF  }
0xa7: {  	s28 =	simm.s32 $_size_execute0_lowered;
	s3 =	sadd.s32 s3, s5;
	[dreg:$0x0] =	wrdreg $0x0  }
0xa8: {  	s5 =	sshll.u32 s28, $0x1;
	[dreg:$0x2] =	wrdreg s3  }
0xa9: {  	[dreg:$0x3] =	wrdreg s5  }
0xaa: {  	[dreg:$0x4] =	wrdreg $0xC0  }
0xab: {  	_ =	task [dreg:s7], $0x5FFFF  }
0xac: {  	[dreg:$0x1] =	wrdreg $0xFFFFFFFF  }
0xad: {  	[dreg:$0x0] =	wrdreg $0x60  }
0xae: {  	[dreg:$0x2] =	wrdreg s24  }
0xaf: {  	[dreg:$0x3] =	wrdreg s2  }
0xb0: {  	[dreg:$0x4] =	wrdreg $0x1CC100  }
0xb1: {  	[dreg:$0x5] =	wrdreg $0x9  }
0xb2: {  	_ =	task.clear_ibuf [dreg:s7], $0x6FFFF;
	_ =	strace $0x90000046  }
0xb3: {  	s29 =	simm.s32 $0x9;
	_ =	strace $0x80000048  }
0xb4: {  	_ =	swait.ge [sflag:s29], $0x1  }
0xb5: {  	[sflag:s29] =	ssyncadd.s32 $0xFFFFFFFF  }
0xb6: {  	_ =	strace $0x90000048  }
0xb7: {  	_ =	sfence  }
0xb8: {  	s30 =	sld [smem:$0x0];
	_ =	sdelay $0x2  }
0xb9: {  	s31 =	sshll.u32 s1, $0xD;
	s1 =	sshrl.u32 s1, $0x2  }
0xba: {  	s3 =	sand.u32 $0x4000, s31;
	s1 =	sadd.s32 s1, s30  }
0xbb: {  	s0 =	sor.u32 s3, s0;
	s1 =	sshll.u32 s1, $0x11  }
0xbc: {  	s0 =	sor.u32 s1, s0  }
0xbd: {  	s0 =	sadd.s32 $0x8F2B, s0  }
0xbe: {  	[sflag:s0] =	ssyncadd.remote.s32 $0x1  }
0xbf: {  	_ =	sfence.sel $0xFFFF  }
0xc0: {  	[dreg:$0x0] =	wrdreg $0xFFFFFFFF;
	(pc) =	sbr.abs _section_cstart, $3  }
0xc1: {  	[dreg:$0x1] =	wrdreg $0xFFFFFFFF  }
0xc2: {  	_ =	task.clear_ibuf [dreg:s7], $0x2FFFF;
	_ =	strace $0x9FFFFFFF  }
0xc3: {  	(tm) =	ssettm $0x7FFFFFFF  }
tec
execute0_lowered:
.L_overlay_start_1:
0x0: {  	(tag) =	ssettag $0x1  }
0x1: {  	s0 =	rddreg [dreg:$0x0];
	s1 =	srdreg.scid  }
0x2: {  	s12 =	stileid.u32;
	s3 =	rddreg [dreg:$0x2]  }
0x3: {  	s4 =	simm.s32 $0x0;
	s14 =	simm.s32 $0x3;
	s15 =	simm.s32 $0x3C00  }
0x4: {  	s16 =	simm.s32 $0x2800;
	s17 =	simm.s32 $0x6400;
	s19 =	simm.s32 $0xA00  }
0x5: {  	s20 =	simm.s32 $0x7800;
	s21 =	simm.s32 $0x11800;
	s22 =	simm.s32 $0x1B800  }
0x6: {  	s23 =	simm.s32 $0x1;
	s28 =	simm.s32 $0x1E00;
	s29 =	simm.s32 $0x5000  }
0x7: {  	s30 =	simm.s32 $0x5A00;
	s31 =	simm.s32 $0x3200;
	s2 =	smul.u32 $0x2800, s12  }
0x8: {  	s1 =	sand.u32 $0x1, s1;
	[smem:$0x7FF] =	sst s4;
	s7 =	smul.u32 $0x500, s12  }
0x9: {  	s5 =	sadd.s32 $0x400, s0;
	s8 =	sadd.s32 $0x5400, s0;
	s25 =	smul.u32 $0xA000, s12  }
0xa: {  	s9 =	sadd.s32 $0xA400, s0;
	s11 =	sshll.u32 s12, $0x1;
	s6 =	smul.u32 $0x28000, s1  }
0xb: {  	_ =	strace $0x80000047;
	s10 =	sshll.u32 s1, $0x5;
	s1 =	ssub.s32 $0x2, s1  }
0xc: {  	s10 =	sor.u32 s11, s10;
	s26 =	sshrl.u32 s1, $0x1;
	s11 =	sshrl.u32 s25, $0x2  }
0xd: {  	s25 =	simm.s32 $0x2;
	s6 =	sadd.s32 s2, s6;
	s10 =	smul.u32 $0x140, s10  }
0xe: {  	s1 =	ssub.s32 s1, s26;
	s11 =	sadd.s32 s11, s3;
	s26 =	simm.s32 $0x4600  }
0xf: {  	s6 =	sshrl.u32 s6, $0x3;
	s11 =	sadd.s32 $0x1400, s11;
	s13 =	smax.u32 s1, $0x1  }
0x10: {  	s1 =	simm.s32 $0x6E00;
	s0 =	sadd.s32 s6, s0;
	s6 =	sadd.s32 s8, s7  }
0x11: {  	s7 =	sadd.s32 s9, s7;
	s8 =	sadd.s32 s8, s10;
	s9 =	sadd.s32 s9, s10  }
0x12: {  	v0 =	vimm.f32 $0.0e+00;
	s10 =	sadd.s32 s2, s3;
	s2 =	simm.s32 $0x0;
	s12 =	sadd.s32 $0xF400, s0  }
.LBB2_1:
0x13: {  	[tilespmem:s4], [sflag:$0x3] =	stream.linear.gather [hbm4b:s6+s4], $0x2800, $0x38;
	[tilespmem:$0x1F410] =	vst v63  }
0x14: {  	_ =	swait.ge [sflag:s14], $0x2800  }
0x15: {  	[sflag:s14] =	ssyncset.done $0x0  }
0x16: {  	[sflag:s14] =	ssyncadd.s32 $0xFFFFD800  }
0x17: {  	[tilespmem:s15], [sflag:$0x3] =	stream.linear.gather [hbm4b:s7+s4], $0x2800, $0x38;
	[tilespmem:$0x1F410] =	vst v63  }
0x18: {  	_ =	swait.ge [sflag:s14], $0x2800  }
0x19: {  	[sflag:s14] =	ssyncset.done $0x0  }
0x1a: {  	[sflag:s14] =	ssyncadd.s32 $0xFFFFD800  }
0x1b: {  	[tilespmem:s16], [sflag:$0x3] =	stream.linear.gather [hbm4b:s8+s4], $0x1400, $0x38;
	[tilespmem:$0x1F410] =	vst v63  }
0x1c: {  	_ =	swait.ge [sflag:s14], $0x1400  }
0x1d: {  	[sflag:s14] =	ssyncset.done $0x0  }
0x1e: {  	[sflag:s14] =	ssyncadd.s32 $0xFFFFEC00  }
0x1f: {  	[tilespmem:s17], [sflag:$0x3] =	stream.linear.gather [hbm4b:s9+s4], $0x1400, $0x38;
	[tilespmem:$0x1F410] =	vst v63  }
0x20: {  	_ =	swait.ge [sflag:s14], $0x1400  }
0x21: {  	[sflag:s14] =	ssyncset.done $0x0  }
0x22: {  	[sflag:s14] =	ssyncadd.s32 $0xFFFFEC00  }
0x23: {  	s18 =	simm.s32 $0x1CC00;
	s0 =	rddreg [dreg:$0x1]  }
0x24: {  	[tilespmem:s18], [sflag:$0x3] =	stream.linear.gather [hbm4b:s0+s4], $0x10, $0x38;
	[tilespmem:$0x1F410] =	vst v63  }
0x25: {  	_ =	swait.ge [sflag:s14], $0x10  }
0x26: {  	[sflag:s14] =	ssyncset.done $0x0  }
0x27: {  	[sflag:s14] =	ssyncadd.s32 $0xFFFFFFF0  }
0x28: {  	[tilespmem:s20], [sflag:$0x1] =	stream.indirect.gather [hbm4b:s5+s19], $0x10, s4, s19, $0xb8;
	[tilespmem:$0x1F410] =	vst v63  }
0x29: {  	s18 =	simm.s32 $0x100;
	s0 =	simm.s32 $0x0  }
0x2a: {  	[tilespmem:s21], [sflag:$0x2] =	stream.indirect.gather [hbm4b:s5+s19], $0x10, s19, s19, $0xb8;
	[tilespmem:$0x1F410] =	vst v63  }
.LBB2_2:
0x2b: {  	p0 =	sne.s32 s18, $0x4F00;
	[tilespmem:s0+$0x1B830] =	vst v0;
	s24 =	smov.u32 s18;
	s18 =	sadd.s32 $0x100, s18  }
.Ltmp0:
0x2c: {  	[tilespmem:s0+$0x1B820] =	vst v0;
	(pc) =	sbr.rel @p0 .LBB2_2-.Ltmp0, $3  }
0x2d: {  	[tilespmem:s0+$0x1B800] =	vst v0  }
0x2e: {  	[tilespmem:s0+$0x1B810] =	vst v0;
	_ =	sdelay $0x1  }
0x2f: {  	s0 =	sshra.s32 s24, $0x2  }
0x30: {  	[tilespmem:s0+$0x1B830] =	vst v0  }
0x31: {  	[tilespmem:s0+$0x1B820] =	vst v0  }
0x32: {  	[tilespmem:s0+$0x1B800] =	vst v0  }
0x33: {  	[tilespmem:s0+$0x1B810] =	vst v0  }
0x34: {  	[spmem:s10] =	stream.linear.scatter [tilespmem:s22], [sflag:$0x3], $0x1400, $0x38;
	[tilespmem:$0x1F410] =	vst v63  }
0x35: {  	_ =	swait.ge [sflag:s14], $0x1400  }
0x36: {  	[sflag:s14] =	ssyncset.done $0x0  }
0x37: {  	[sflag:s14] =	ssyncadd.s32 $0xFFFFEC00  }
0x38: {  	[spmem:s11] =	stream.linear.scatter [tilespmem:s22], [sflag:$0x3], $0x1400, $0x38;
	[tilespmem:$0x1F410] =	vst v63  }
0x39: {  	_ =	swait.ge [sflag:s14], $0x1400  }
0x3a: {  	[sflag:s14] =	ssyncset.done $0x0  }
0x3b: {  	[sflag:s14] =	ssyncadd.s32 $0xFFFFEC00  }
0x3c: {  	[bflag:$0x0] =	sbarrier.arrive $0xFFFF  }
0x3d: {  	_ =	swait.ge [sflag:s23], $0xA000  }
0x3e: {  	[sflag:s23] =	ssyncset.done $0x0  }
0x3f: {  	[sflag:s23] =	ssyncadd.s32 $0xFFFF6000  }
0x40: {  	[spmem:s3] =	stream.indirect.scatter.add.f32 [tilespmem:s20], [sflag:$0x3], $0x10, s15, s19, $0xb8;
	[tilespmem:$0x1F410] =	vst v63  }
0x41: {  	_ =	swait.ge [sflag:s14], $0xA000  }
0x42: {  	[sflag:s14] =	ssyncset.done $0x0  }
0x43: {  	s24 =	simm.s32 $0x1400;
	[sflag:s14] =	ssyncadd.s32 $0xFFFF6000  }
0x44: {  	[tilespmem:s20], [sflag:$0x1] =	stream.indirect.gather [hbm4b:s5+s19], $0x10, s24, s19, $0xb8;
	[tilespmem:$0x1F410] =	vst v63  }
0x45: {  	_ =	swait.ge [sflag:s25], $0xA000  }
0x46: {  	[sflag:s25] =	ssyncset.done $0x0  }
0x47: {  	[sflag:s25] =	ssyncadd.s32 $0xFFFF6000  }
0x48: {  	[spmem:s3] =	stream.indirect.scatter.add.f32 [tilespmem:s21], [sflag:$0x3], $0x10, s26, s19, $0xb8;
	[tilespmem:$0x1F410] =	vst v63  }
0x49: {  	_ =	swait.ge [sflag:s14], $0xA000  }
0x4a: {  	[sflag:s14] =	ssyncset.done $0x0  }
0x4b: {  	[sflag:s14] =	ssyncadd.s32 $0xFFFF6000  }
0x4c: {  	[tilespmem:s21], [sflag:$0x2] =	stream.indirect.gather [hbm4b:s5+s19], $0x10, s28, s19, $0xb8;
	[tilespmem:$0x1F410] =	vst v63  }
0x4d: {  	_ =	swait.ge [sflag:s23], $0xA000  }
0x4e: {  	[sflag:s23] =	ssyncset.done $0x0  }
0x4f: {  	[sflag:s23] =	ssyncadd.s32 $0xFFFF6000  }
0x50: {  	[spmem:s3] =	stream.indirect.scatter.add.f32 [tilespmem:s20], [sflag:$0x3], $0x10, s29, s19, $0xb8;
	[tilespmem:$0x1F410] =	vst v63  }
0x51: {  	_ =	swait.ge [sflag:s14], $0xA000  }
0x52: {  	[sflag:s14] =	ssyncset.done $0x0  }
0x53: {  	[sflag:s14] =	ssyncadd.s32 $0xFFFF6000  }
0x54: {  	_ =	swait.ge [sflag:s25], $0xA000  }
0x55: {  	[sflag:s25] =	ssyncset.done $0x0  }
0x56: {  	[sflag:s25] =	ssyncadd.s32 $0xFFFF6000  }
0x57: {  	[spmem:s3] =	stream.indirect.scatter.add.f32 [tilespmem:s21], [sflag:$0x3], $0x10, s30, s19, $0xb8;
	[tilespmem:$0x1F410] =	vst v63  }
0x58: {  	_ =	swait.ge [sflag:s14], $0xA000  }
0x59: {  	[sflag:s14] =	ssyncset.done $0x0  }
0x5a: {  	[sflag:s14] =	ssyncadd.s32 $0xFFFF6000  }
0x5b: {  	[bflag:$0x0] =	sbarrier.arrive $0xFFFF  }
0x5c: {  	[tilespmem:s20], [sflag:$0x3] =	stream.linear.gather [spmem:s10], $0x2800, $0x38;
	[tilespmem:$0x1F410] =	vst v63  }
0x5d: {  	_ =	swait.ge [sflag:s14], $0x2800  }
0x5e: {  	[sflag:s14] =	ssyncset.done $0x0  }
0x5f: {  	[sflag:s14] =	ssyncadd.s32 $0xFFFFD800  }
0x60: {  	s0 =	simm.s32 $0x0;
	v1 =	vld [tilespmem:$0x1CC00]  }
0x61: {  	v2 =	vld [tilespmem:s0+$0x7800]  }
0x62: {  	v3 =	vld [tilespmem:s0+$0x7810]  }
0x63: {  	s18 =	simm.s32 $0x100;
	v4 =	vld [tilespmem:s0+$0x7820]  }
.LBB2_4:
0x64: {  	p0 =	sne.s32 s18, $0x9F00;
	v5 =	vld [tilespmem:s0+$0x7830];
	_ =	sdelay $0x1  }
0x65: {  	v2 =	vadd.f32 v2, v1  }
0x66: {  	v3 =	vadd.f32 v3, v1  }
.Ltmp1:
0x67: {  	v2 =	vmax.f32 v2, $0.0e+00;
	v4 =	vadd.f32 v4, v1;
	(pc) =	sbr.rel @p0 .LBB2_4-.Ltmp1, $4  }
0x68: {  	s24 =	sshra.s32 s18, $0x2;
	[tilespmem:s0+$0x7800] =	vst v2;
	v3 =	vmax.f32 v3, $0.0e+00;
	v5 =	vadd.f32 v5, v1  }
0x69: {  	v2 =	vld [tilespmem:s24+$0x7800];
	[tilespmem:s0+$0x7810] =	vst v3;
	v4 =	vmax.f32 v4, $0.0e+00  }
0x6a: {  	v3 =	vld [tilespmem:s24+$0x7810];
	[tilespmem:s0+$0x7820] =	vst v4;
	v5 =	vmax.f32 v5, $0.0e+00  }
0x6b: {  	s18 =	sadd.s32 $0x100, s18;
	v4 =	vld [tilespmem:s24+$0x7820];
	[tilespmem:s0+$0x7830] =	vst v5;
	s0 =	smov.u32 s24  }
0x6c: {  	v5 =	vld [tilespmem:s0+$0x7830];
	_ =	sdelay $0x1  }
0x6d: {  	v2 =	vadd.f32 v2, v1  }
0x6e: {  	v3 =	vadd.f32 v3, v1  }
0x6f: {  	v2 =	vmax.f32 v2, $0.0e+00;
	v4 =	vadd.f32 v4, v1  }
0x70: {  	[tilespmem:s0+$0x7800] =	vst v2;
	v2 =	vmax.f32 v3, $0.0e+00;
	v1 =	vadd.f32 v5, v1  }
0x71: {  	[tilespmem:s0+$0x7810] =	vst v2;
	v2 =	vmax.f32 v4, $0.0e+00  }
0x72: {  	[tilespmem:s0+$0x7820] =	vst v2;
	v1 =	vmax.f32 v1, $0.0e+00  }
0x73: {  	[tilespmem:s0+$0x7830] =	vst v1  }
0x74: {  	[spmem:s10] =	stream.linear.scatter [tilespmem:s20], [sflag:$0x3], $0x2800, $0x38;
	[tilespmem:$0x1F410] =	vst v63  }
0x75: {  	_ =	swait.ge [sflag:s14], $0x2800  }
0x76: {  	[sflag:s14] =	ssyncset.done $0x0  }
0x77: {  	[sflag:s14] =	ssyncadd.s32 $0xFFFFD800  }
0x78: {  	[bflag:$0x0] =	sbarrier.arrive $0xFFFF  }
0x79: {  	[tilespmem:s20], [sflag:$0x1] =	stream.indirect.gather [spmem:s3], $0x10, s16, s19, $0xb8;
	[tilespmem:$0x1F410] =	vst v63  }
0x7a: {  	_ = 	snop  }
0x7b: {  	[tilespmem:s21], [sflag:$0x2] =	stream.indirect.gather [spmem:s3], $0x10, s31, s19, $0xb8;
	[tilespmem:$0x1F410] =	vst v63  }
0x7c: {  	_ =	swait.ge [sflag:s23], $0xA000  }
0x7d: {  	[sflag:s23] =	ssyncset.done $0x0  }
0x7e: {  	[sflag:s23] =	ssyncadd.s32 $0xFFFF6000  }
0x7f: {  	_ =	swait.ge [sflag:s25], $0xA000  }
0x80: {  	[sflag:s25] =	ssyncset.done $0x0  }
0x81: {  	[sflag:s25] =	ssyncadd.s32 $0xFFFF6000  }
0x82: {  	[bflag:$0x0] =	sbarrier.arrive $0xFFFF  }
0x83: {  	[spmem:s10] =	stream.linear.scatter [tilespmem:s22], [sflag:$0x3], $0x1400, $0x38;
	[tilespmem:$0x1F410] =	vst v63  }
0x84: {  	_ =	swait.ge [sflag:s14], $0x1400  }
0x85: {  	[sflag:s14] =	ssyncset.done $0x0  }
0x86: {  	[sflag:s14] =	ssyncadd.s32 $0xFFFFEC00  }
0x87: {  	[spmem:s11] =	stream.linear.scatter [tilespmem:s22], [sflag:$0x3], $0x1400, $0x38;
	[tilespmem:$0x1F410] =	vst v63  }
0x88: {  	_ =	swait.ge [sflag:s14], $0x1400  }
0x89: {  	[sflag:s14] =	ssyncset.done $0x0  }
0x8a: {  	[sflag:s14] =	ssyncadd.s32 $0xFFFFEC00  }
0x8b: {  	[bflag:$0x0] =	sbarrier.arrive $0xFFFF  }
0x8c: {  	[spmem:s3] =	stream.indirect.scatter.add.f32 [tilespmem:s20], [sflag:$0x3], $0x10, s17, s19, $0xb8;
	[tilespmem:$0x1F410] =	vst v63  }
0x8d: {  	_ =	swait.ge [sflag:s14], $0xA000  }
0x8e: {  	[sflag:s14] =	ssyncset.done $0x0  }
0x8f: {  	[sflag:s14] =	ssyncadd.s32 $0xFFFF6000  }
0x90: {  	[spmem:s3] =	stream.indirect.scatter.add.f32 [tilespmem:s21], [sflag:$0x3], $0x10, s1, s19, $0xb8;
	[tilespmem:$0x1F410] =	vst v63  }
0x91: {  	s24 =	stileid.u32;
	_ =	swait.ge [sflag:s14], $0xA000  }
0x92: {  	s18 =	sshrl.u32 s10, $0x3;
	s2 =	sadd.s32 $0x1, s2;
	[sflag:s14] =	ssyncset.done $0x0  }
0x93: {  	p0 =	sne.s32 s2, s13;
	s0 =	sshll.u32 s24, $0x6;
	[sflag:s14] =	ssyncadd.s32 $0xFFFF6000  }
.Ltmp2:
0x94: {  	s0 =	sor.u32 $0x1C03, s0;
	[bflag:$0x0] =	sbarrier.arrive $0xFFFF;
	(pc) =	sbr.rel @p0 .LBB2_1-.Ltmp2, $4  }
0x95: {  	[hbm:s12], [sflag:s0] =	dma.local [spmem:s18], $0x500  }
0x96: {  	_ =	swait.ge [sflag:s14], $0x500  }
0x97: {  	[sflag:s14] =	ssyncset.done $0x0  }
0x98: {  	[sflag:s14] =	ssyncadd.s32 $0xFFFFFB00  }
0x99: {  	_ =	sfence.sel $0x180000  }
0x9a: {  	[bflag:$0x0] =	sbarrier.arrive $0xFFFF  }
0x9b: {  	_ =	strace $0x90000047  }
0x9c: {  	s0 =	stileid.u32;
	[bflag:$0x2] =	sbarrier.arrive $0xFFFF  }
0x9d: {  	p0 =	sne.s32 s0, $0x0;
	s0 =	rddreg [dreg:$0x3]  }
0x9e: {  	s0 =	sadd.s32 @!p0 $0x100000, s0  }
0x9f: {  	[sflag:s0] =	ssyncadd.tile.s32 @!p0 $0x1;
	_ =	shalt  }
.Lfunc_end2:
_tile_overlayer_lowered:
.L_overlay_start_2:
0xa0: {  	(tag) =	ssettag $0x2  }
0xa1: {  	s0 =	rddreg [dreg:$0x0];
	s2 =	stileid.u32  }
0xa2: {  	s1 =	rddreg [dreg:$0x1];
	p0 =	sne.s32 s2, $0x0  }
0xa3: {  	s3 =	rddreg [dreg:$0x2];
	[bflag:$0x3] =	sbarrier.arrive $0xFFFF;
	s2 =	simm.s32 @!p0 $0x1C03  }
0xa4: {  	[timem:s3], [sflag:s2] =	dma.local @!p0 [hbm:s0], s1  }
0xa5: {  	s0 =	simm.s32 @!p0 $0x3  }
0xa6: {  	_ =	swait.ge @!p0 [sflag:s0], s1  }
0xa7: {  	s1 =	ssub.s32 @!p0 $0x0, s1;
	[sflag:s0] =	ssyncset.done @!p0 $0x0  }
0xa8: {  	[sflag:s0] =	ssyncadd.s32 @!p0 s1  }
0xa9: {  	[bflag:$0x3] =	sbarrier.arrive $0xFFFF  }
0xaa: {  	_ =	shalt  }

</sc_bundles>
